<compile_context>
chip_gen: v7x
topology: tpu7x:2x2x1
jax: 0.10.2.dev20260603
libtpu: 0.0.44.dev20260713+nightly
codegen_flags: <defaults>
</compile_context>

<pallas_src>
import functools

import jax
import jax.numpy as jnp
from jax import lax
from jax.experimental import pallas as pl
from jax.experimental.pallas import tpu as pltpu
from jax.experimental.pallas import tpu_sc as plsc

B = 16384
D = 64
NC = 2
NS = 16
NW = NC * NS
BPW = B // NW
LANES = 16
GROUPS = BPW // LANES

_mesh = plsc.VectorSubcoreMesh(
    core_axis_name="c", subcore_axis_name="s", num_cores=NC, num_subcores=NS
)


@functools.partial(
    pl.kernel,
    out_type=jax.ShapeDtypeStruct((B,), jnp.float32),
    mesh=_mesh,
    compiler_params=pltpu.CompilerParams(
        use_tc_tiling_on_sc=False, needs_layout_passes=False
    ),
    scratch_types=[
        pltpu.VMEM((BPW,), jnp.int32),
        pltpu.VMEM((BPW,), jnp.int32),
        pltpu.VMEM((BPW, D), jnp.float32),
        pltpu.VMEM((BPW, D), jnp.float32),
        pltpu.VMEM((BPW,), jnp.float32),
        pltpu.SemaphoreType.DMA,
        pltpu.SemaphoreType.DMA,
    ],
)
def _sc_dot(uids, iids, utab, itab, out, uidx, iidx, urows, irows, res,
            sem_i, sem_r):
    wid = lax.axis_index("s") * NC + lax.axis_index("c")
    base = pl.multiple_of(wid * BPW, BPW)

    cu = pltpu.async_copy(uids.at[pl.ds(base, BPW)], uidx, sem_i)
    ci = pltpu.async_copy(iids.at[pl.ds(base, BPW)], iidx, sem_i)
    cu.wait()
    ci.wait()

    one = jnp.ones((LANES,), jnp.int32)
    for k in range(GROUPS):
        sl = pl.ds(k * LANES, LANES)
        uidx[sl] = uidx[sl] + one
        iidx[sl] = iidx[sl] + one

    gu = pltpu.async_copy(utab.at[uidx], urows, sem_r)
    gi = pltpu.async_copy(itab.at[iidx], irows, sem_r)
    gu.wait()
    gi.wait()

    lane = lax.iota(jnp.int32, LANES)

    def group_body(g, carry):
        rvec = jnp.zeros((LANES,), jnp.float32)
        for r in range(LANES):
            row = g * LANES + r
            acc = jnp.zeros((LANES,), jnp.float32)
            for c in range(D // LANES):
                sl = pl.ds(c * LANES, LANES)
                acc = acc + urows[row, sl] * irows[row, sl]
            s = jnp.sum(acc)
            rvec = jnp.where(lane == r, s, rvec)
        res[pl.ds(g * LANES, LANES)] = rvec
        return carry

    lax.fori_loop(0, GROUPS, group_body, 0)

    pltpu.sync_copy(res, out.at[pl.ds(base, BPW)])


def kernel(user_ids, item_ids, user_table, item_table):
    return _sc_dot(
        user_ids.astype(jnp.int32),
        item_ids.astype(jnp.int32),
        user_table,
        item_table,
    )

# --- scband reference (transcript-rebuilt; emitter-appended) ---
"""Pipeline reference for scband-matrix-factorization-13280038879248 (READ-ONLY COPY).

The authoritative reference and input builder live on the scoring server;
editing this copy changes nothing except your own understanding.
"""

import jax, jax.numpy as jnp
import numpy as np

NUM_USERS = 1000000
NUM_ITEMS = 1000000
EMBED_DIM = 64
BATCH = 16384

def setup_inputs(seed: int = 0) -> dict:
    key = jax.random.key(seed)
    k1, k2, k3, k4 = jax.random.split(key, 4)
    user_ids = jax.random.randint(k1, (BATCH,), 0, NUM_USERS, dtype=jnp.int64 if jax.config.jax_enable_x64 else jnp.int32)
    item_ids = jax.random.randint(k2, (BATCH,), 0, NUM_ITEMS, dtype=jnp.int64 if jax.config.jax_enable_x64 else jnp.int32)
    # Embedding tables sized unique_count + 1 (index 0 reserved for OOV by IntegerLookup),
    # keras 'uniform' initializer: U(-0.05, 0.05)
    user_table = jax.random.uniform(k3, (NUM_USERS + 1, EMBED_DIM), minval=-0.05, maxval=0.05, dtype=jnp.float32)
    item_table = jax.random.uniform(k4, (NUM_ITEMS + 1, EMBED_DIM), minval=-0.05, maxval=0.05, dtype=jnp.float32)
    return {"user_ids": user_ids, "item_ids": item_ids, "user_table": user_table, "item_table": item_table}

def reference(user_ids, item_ids, user_table, item_table):
    # IntegerLookup with vocabulary = arange(N): token i -> index i + 1 (index 0 = OOV).
    user_indices = user_ids + 1
    item_indices = item_ids + 1
    user_embedding = jnp.take(user_table, user_indices, axis=0)
    item_embedding = jnp.take(item_table, item_indices, axis=0)
    predicted_interaction_probability = jnp.sum(user_embedding * item_embedding, axis=1)
    return predicted_interaction_probability

if __name__ == "__main__":
    import jax
    _d = setup_inputs()
    print(jax.jit(kernel)(*tuple(_d.values())))

</pallas_src>

<mosaic_0001>
#map = affine_map<(d0, d1) -> (0)>
#map1 = affine_map<(d0, d1) -> (0, 0)>
module attributes {stable_mosaic.version = 14 : i64} {
  func.func @_sc_dot(%arg0: i32, %arg1: i32, %arg2: memref<16384xi32, #tpu.memory_space<hbm>>, %arg3: memref<16384xi32, #tpu.memory_space<hbm>>, %arg4: memref<1000001x64xf32, #tpu.memory_space<hbm>>, %arg5: memref<1000001x64xf32, #tpu.memory_space<hbm>>, %arg6: memref<16384xf32, #tpu.memory_space<hbm>>, %arg7: memref<512xi32, #tpu.memory_space<vmem>>, %arg8: memref<512xi32, #tpu.memory_space<vmem>>, %arg9: memref<512x64xf32, #tpu.memory_space<vmem>>, %arg10: memref<512x64xf32, #tpu.memory_space<vmem>>, %arg11: memref<512xf32, #tpu.memory_space<vmem>>, %arg12: memref<!tpu.dma_semaphore, #tpu.memory_space<semaphore_mem>>, %arg13: memref<!tpu.dma_semaphore, #tpu.memory_space<semaphore_mem>>) attributes {dimension_semantics = [#tpu.dimension_semantics<core_parallel>, #tpu.dimension_semantics<subcore_parallel>], iteration_bounds = array<i64: 2, 16>, scalar_prefetch = 0 : i64, scratch_operands = 7 : i64, tpu.core_type = #tpu.core_type<sc_vector_subcore>, window_params = [{transform_indices = #map}, {transform_indices = #map}, {transform_indices = #map1}, {transform_indices = #map1}, {transform_indices = #map}]} {
    %mul3A = arith.constant 2 : i32
    %mul3A_0 = arith.muli %arg1, %mul3A : i32
    %add3A = arith.addi %mul3A_0, %arg0 : i32
    %mul3A_1 = arith.constant 512 : i32
    %mul3A_2 = arith.muli %add3A, %mul3A_1 : i32
    %multiple_of3A = tpu.assume_multiple %mul3A_2, 512 : i32
    %dma_start3A = tpu.memref_slice %arg2[%multiple_of3A] : memref<16384xi32, #tpu.memory_space<hbm>> -> memref<512xi32, #tpu.memory_space<hbm>>
    %dma_start3A_3 = tpu.memref_slice %arg2[%multiple_of3A] : memref<16384xi32, #tpu.memory_space<hbm>> -> memref<512xi32, #tpu.memory_space<hbm>>
    tpu.enqueue_dma source(%dma_start3A_3 : memref<512xi32, #tpu.memory_space<hbm>>) target(%arg7 : memref<512xi32, #tpu.memory_space<vmem>>) target_semaphore(%arg12 : memref<!tpu.dma_semaphore, #tpu.memory_space<semaphore_mem>>)
    %dma_start3A_4 = tpu.memref_slice %arg3[%multiple_of3A] : memref<16384xi32, #tpu.memory_space<hbm>> -> memref<512xi32, #tpu.memory_space<hbm>>
    %dma_start3A_5 = tpu.memref_slice %arg3[%multiple_of3A] : memref<16384xi32, #tpu.memory_space<hbm>> -> memref<512xi32, #tpu.memory_space<hbm>>
    tpu.enqueue_dma source(%dma_start3A_5 : memref<512xi32, #tpu.memory_space<hbm>>) target(%arg8 : memref<512xi32, #tpu.memory_space<vmem>>) target_semaphore(%arg12 : memref<!tpu.dma_semaphore, #tpu.memory_space<semaphore_mem>>)
    %dma_wait3A = tpu.memref_slice %arg2[%multiple_of3A] : memref<16384xi32, #tpu.memory_space<hbm>> -> memref<512xi32, #tpu.memory_space<hbm>>
    %dma_wait3A_6 = tpu.memref_slice %arg2[%multiple_of3A] : memref<16384xi32, #tpu.memory_space<hbm>> -> memref<512xi32, #tpu.memory_space<hbm>>
    tpu.wait_dma2 semaphore(%arg12 : memref<!tpu.dma_semaphore, #tpu.memory_space<semaphore_mem>>) src(%dma_wait3A_6 : memref<512xi32, #tpu.memory_space<hbm>>) dst(%arg7 : memref<512xi32, #tpu.memory_space<vmem>>)
    %dma_wait3A_7 = tpu.memref_slice %arg3[%multiple_of3A] : memref<16384xi32, #tpu.memory_space<hbm>> -> memref<512xi32, #tpu.memory_space<hbm>>
    %dma_wait3A_8 = tpu.memref_slice %arg3[%multiple_of3A] : memref<16384xi32, #tpu.memory_space<hbm>> -> memref<512xi32, #tpu.memory_space<hbm>>
    tpu.wait_dma2 semaphore(%arg12 : memref<!tpu.dma_semaphore, #tpu.memory_space<semaphore_mem>>) src(%dma_wait3A_8 : memref<512xi32, #tpu.memory_space<hbm>>) dst(%arg8 : memref<512xi32, #tpu.memory_space<vmem>>)
    %broadcast_in_dim3A = arith.constant 1 : i32
    %broadcast_in_dim3A_9 = vector.broadcast %broadcast_in_dim3A : i32 to vector<16xi32>
    %get3A = arith.constant 0 : index
    %get3A_10 = tpu.vector_load %arg7[%get3A] {strides = array<i32>} : memref<512xi32, #tpu.memory_space<vmem>>, vector<16xi32>,
    %add3A_11 = arith.addi %get3A_10, %broadcast_in_dim3A_9 : vector<16xi32>
    %swap3A = arith.constant 0 : index
    %swap3A_12 = tpu.vector_load %arg7[%swap3A] {strides = array<i32>} : memref<512xi32, #tpu.memory_space<vmem>>, vector<16xi32>,
    tpu.vector_store %arg7[%swap3A], %add3A_11 {strides = array<i32>} : memref<512xi32, #tpu.memory_space<vmem>>, vector<16xi32>,
    %get3A_13 = arith.constant 0 : index
    %get3A_14 = tpu.vector_load %arg8[%get3A_13] {strides = array<i32>} : memref<512xi32, #tpu.memory_space<vmem>>, vector<16xi32>,
    %add3A_15 = arith.addi %get3A_14, %broadcast_in_dim3A_9 : vector<16xi32>
    %swap3A_16 = arith.constant 0 : index
    %swap3A_17 = tpu.vector_load %arg8[%swap3A_16] {strides = array<i32>} : memref<512xi32, #tpu.memory_space<vmem>>, vector<16xi32>,
    tpu.vector_store %arg8[%swap3A_16], %add3A_15 {strides = array<i32>} : memref<512xi32, #tpu.memory_space<vmem>>, vector<16xi32>,
    %get3A_18 = arith.constant 16 : index
    %get3A_19 = tpu.vector_load %arg7[%get3A_18] {strides = array<i32>} : memref<512xi32, #tpu.memory_space<vmem>>, vector<16xi32>,
    %add3A_20 = arith.addi %get3A_19, %broadcast_in_dim3A_9 : vector<16xi32>
    %swap3A_21 = arith.constant 16 : index
    %swap3A_22 = tpu.vector_load %arg7[%swap3A_21] {strides = array<i32>} : memref<512xi32, #tpu.memory_space<vmem>>, vector<16xi32>,
    tpu.vector_store %arg7[%swap3A_21], %add3A_20 {strides = array<i32>} : memref<512xi32, #tpu.memory_space<vmem>>, vector<16xi32>,
    %get3A_23 = arith.constant 16 : index
    %get3A_24 = tpu.vector_load %arg8[%get3A_23] {strides = array<i32>} : memref<512xi32, #tpu.memory_space<vmem>>, vector<16xi32>,
    %add3A_25 = arith.addi %get3A_24, %broadcast_in_dim3A_9 : vector<16xi32>
    %swap3A_26 = arith.constant 16 : index
    %swap3A_27 = tpu.vector_load %arg8[%swap3A_26] {strides = array<i32>} : memref<512xi32, #tpu.memory_space<vmem>>, vector<16xi32>,
    tpu.vector_store %arg8[%swap3A_26], %add3A_25 {strides = array<i32>} : memref<512xi32, #tpu.memory_space<vmem>>, vector<16xi32>,
    %get3A_28 = arith.constant 32 : index
    %get3A_29 = tpu.vector_load %arg7[%get3A_28] {strides = array<i32>} : memref<512xi32, #tpu.memory_space<vmem>>, vector<16xi32>,
    %add3A_30 = arith.addi %get3A_29, %broadcast_in_dim3A_9 : vector<16xi32>
    %swap3A_31 = arith.constant 32 : index
    %swap3A_32 = tpu.vector_load %arg7[%swap3A_31] {strides = array<i32>} : memref<512xi32, #tpu.memory_space<vmem>>, vector<16xi32>,
    tpu.vector_store %arg7[%swap3A_31], %add3A_30 {strides = array<i32>} : memref<512xi32, #tpu.memory_space<vmem>>, vector<16xi32>,
    %get3A_33 = arith.constant 32 : index
    %get3A_34 = tpu.vector_load %arg8[%get3A_33] {strides = array<i32>} : memref<512xi32, #tpu.memory_space<vmem>>, vector<16xi32>,
    %add3A_35 = arith.addi %get3A_34, %broadcast_in_dim3A_9 : vector<16xi32>
    %swap3A_36 = arith.constant 32 : index
    %swap3A_37 = tpu.vector_load %arg8[%swap3A_36] {strides = array<i32>} : memref<512xi32, #tpu.memory_space<vmem>>, vector<16xi32>,
    tpu.vector_store %arg8[%swap3A_36], %add3A_35 {strides = array<i32>} : memref<512xi32, #tpu.memory_space<vmem>>, vector<16xi32>,
    %get3A_38 = arith.constant 48 : index
    %get3A_39 = tpu.vector_load %arg7[%get3A_38] {strides = array<i32>} : memref<512xi32, #tpu.memory_space<vmem>>, vector<16xi32>,
    %add3A_40 = arith.addi %get3A_39, %broadcast_in_dim3A_9 : vector<16xi32>
    %swap3A_41 = arith.constant 48 : index
    %swap3A_42 = tpu.vector_load %arg7[%swap3A_41] {strides = array<i32>} : memref<512xi32, #tpu.memory_space<vmem>>, vector<16xi32>,
    tpu.vector_store %arg7[%swap3A_41], %add3A_40 {strides = array<i32>} : memref<512xi32, #tpu.memory_space<vmem>>, vector<16xi32>,
    %get3A_43 = arith.constant 48 : index
    %get3A_44 = tpu.vector_load %arg8[%get3A_43] {strides = array<i32>} : memref<512xi32, #tpu.memory_space<vmem>>, vector<16xi32>,
    %add3A_45 = arith.addi %get3A_44, %broadcast_in_dim3A_9 : vector<16xi32>
    %swap3A_46 = arith.constant 48 : index
    %swap3A_47 = tpu.vector_load %arg8[%swap3A_46] {strides = array<i32>} : memref<512xi32, #tpu.memory_space<vmem>>, vector<16xi32>,
    tpu.vector_store %arg8[%swap3A_46], %add3A_45 {strides = array<i32>} : memref<512xi32, #tpu.memory_space<vmem>>, vector<16xi32>,
    %get3A_48 = arith.constant 64 : index
    %get3A_49 = tpu.vector_load %arg7[%get3A_48] {strides = array<i32>} : memref<512xi32, #tpu.memory_space<vmem>>, vector<16xi32>,
    %add3A_50 = arith.addi %get3A_49, %broadcast_in_dim3A_9 : vector<16xi32>
    %swap3A_51 = arith.constant 64 : index
    %swap3A_52 = tpu.vector_load %arg7[%swap3A_51] {strides = array<i32>} : memref<512xi32, #tpu.memory_space<vmem>>, vector<16xi32>,
    tpu.vector_store %arg7[%swap3A_51], %add3A_50 {strides = array<i32>} : memref<512xi32, #tpu.memory_space<vmem>>, vector<16xi32>,
    %get3A_53 = arith.constant 64 : index
    %get3A_54 = tpu.vector_load %arg8[%get3A_53] {strides = array<i32>} : memref<512xi32, #tpu.memory_space<vmem>>, vector<16xi32>,
    %add3A_55 = arith.addi %get3A_54, %broadcast_in_dim3A_9 : vector<16xi32>
    %swap3A_56 = arith.constant 64 : index
    %swap3A_57 = tpu.vector_load %arg8[%swap3A_56] {strides = array<i32>} : memref<512xi32, #tpu.memory_space<vmem>>, vector<16xi32>,
    tpu.vector_store %arg8[%swap3A_56], %add3A_55 {strides = array<i32>} : memref<512xi32, #tpu.memory_space<vmem>>, vector<16xi32>,
    %get3A_58 = arith.constant 80 : index
    %get3A_59 = tpu.vector_load %arg7[%get3A_58] {strides = array<i32>} : memref<512xi32, #tpu.memory_space<vmem>>, vector<16xi32>,
    %add3A_60 = arith.addi %get3A_59, %broadcast_in_dim3A_9 : vector<16xi32>
    %swap3A_61 = arith.constant 80 : index
    %swap3A_62 = tpu.vector_load %arg7[%swap3A_61] {strides = array<i32>} : memref<512xi32, #tpu.memory_space<vmem>>, vector<16xi32>,
    tpu.vector_store %arg7[%swap3A_61], %add3A_60 {strides = array<i32>} : memref<512xi32, #tpu.memory_space<vmem>>, vector<16xi32>,
    %get3A_63 = arith.constant 80 : index
    %get3A_64 = tpu.vector_load %arg8[%get3A_63] {strides = array<i32>} : memref<512xi32, #tpu.memory_space<vmem>>, vector<16xi32>,
    %add3A_65 = arith.addi %get3A_64, %broadcast_in_dim3A_9 : vector<16xi32>
    %swap3A_66 = arith.constant 80 : index
    %swap3A_67 = tpu.vector_load %arg8[%swap3A_66] {strides = array<i32>} : memref<512xi32, #tpu.memory_space<vmem>>, vector<16xi32>,
    tpu.vector_store %arg8[%swap3A_66], %add3A_65 {strides = array<i32>} : memref<512xi32, #tpu.memory_space<vmem>>, vector<16xi32>,
    %get3A_68 = arith.constant 96 : index
    %get3A_69 = tpu.vector_load %arg7[%get3A_68] {strides = array<i32>} : memref<512xi32, #tpu.memory_space<vmem>>, vector<16xi32>,
    %add3A_70 = arith.addi %get3A_69, %broadcast_in_dim3A_9 : vector<16xi32>
    %swap3A_71 = arith.constant 96 : index
    %swap3A_72 = tpu.vector_load %arg7[%swap3A_71] {strides = array<i32>} : memref<512xi32, #tpu.memory_space<vmem>>, vector<16xi32>,
    tpu.vector_store %arg7[%swap3A_71], %add3A_70 {strides = array<i32>} : memref<512xi32, #tpu.memory_space<vmem>>, vector<16xi32>,
    %get3A_73 = arith.constant 96 : index
    %get3A_74 = tpu.vector_load %arg8[%get3A_73] {strides = array<i32>} : memref<512xi32, #tpu.memory_space<vmem>>, vector<16xi32>,
    %add3A_75 = arith.addi %get3A_74, %broadcast_in_dim3A_9 : vector<16xi32>
    %swap3A_76 = arith.constant 96 : index
    %swap3A_77 = tpu.vector_load %arg8[%swap3A_76] {strides = array<i32>} : memref<512xi32, #tpu.memory_space<vmem>>, vector<16xi32>,
    tpu.vector_store %arg8[%swap3A_76], %add3A_75 {strides = array<i32>} : memref<512xi32, #tpu.memory_space<vmem>>, vector<16xi32>,
    %get3A_78 = arith.constant 112 : index
    %get3A_79 = tpu.vector_load %arg7[%get3A_78] {strides = array<i32>} : memref<512xi32, #tpu.memory_space<vmem>>, vector<16xi32>,
    %add3A_80 = arith.addi %get3A_79, %broadcast_in_dim3A_9 : vector<16xi32>
    %swap3A_81 = arith.constant 112 : index
    %swap3A_82 = tpu.vector_load %arg7[%swap3A_81] {strides = array<i32>} : memref<512xi32, #tpu.memory_space<vmem>>, vector<16xi32>,
    tpu.vector_store %arg7[%swap3A_81], %add3A_80 {strides = array<i32>} : memref<512xi32, #tpu.memory_space<vmem>>, vector<16xi32>,
    %get3A_83 = arith.constant 112 : index
    %get3A_84 = tpu.vector_load %arg8[%get3A_83] {strides = array<i32>} : memref<512xi32, #tpu.memory_space<vmem>>, vector<16xi32>,
    %add3A_85 = arith.addi %get3A_84, %broadcast_in_dim3A_9 : vector<16xi32>
    %swap3A_86 = arith.constant 112 : index
    %swap3A_87 = tpu.vector_load %arg8[%swap3A_86] {strides = array<i32>} : memref<512xi32, #tpu.memory_space<vmem>>, vector<16xi32>,
    tpu.vector_store %arg8[%swap3A_86], %add3A_85 {strides = array<i32>} : memref<512xi32, #tpu.memory_space<vmem>>, vector<16xi32>,
    %get3A_88 = arith.constant 128 : index
    %get3A_89 = tpu.vector_load %arg7[%get3A_88] {strides = array<i32>} : memref<512xi32, #tpu.memory_space<vmem>>, vector<16xi32>,
    %add3A_90 = arith.addi %get3A_89, %broadcast_in_dim3A_9 : vector<16xi32>
    %swap3A_91 = arith.constant 128 : index
    %swap3A_92 = tpu.vector_load %arg7[%swap3A_91] {strides = array<i32>} : memref<512xi32, #tpu.memory_space<vmem>>, vector<16xi32>,
    tpu.vector_store %arg7[%swap3A_91], %add3A_90 {strides = array<i32>} : memref<512xi32, #tpu.memory_space<vmem>>, vector<16xi32>,
    %get3A_93 = arith.constant 128 : index
    %get3A_94 = tpu.vector_load %arg8[%get3A_93] {strides = array<i32>} : memref<512xi32, #tpu.memory_space<vmem>>, vector<16xi32>,
    %add3A_95 = arith.addi %get3A_94, %broadcast_in_dim3A_9 : vector<16xi32>
    %swap3A_96 = arith.constant 128 : index
    %swap3A_97 = tpu.vector_load %arg8[%swap3A_96] {strides = array<i32>} : memref<512xi32, #tpu.memory_space<vmem>>, vector<16xi32>,
    tpu.vector_store %arg8[%swap3A_96], %add3A_95 {strides = array<i32>} : memref<512xi32, #tpu.memory_space<vmem>>, vector<16xi32>,
    %get3A_98 = arith.constant 144 : index
    %get3A_99 = tpu.vector_load %arg7[%get3A_98] {strides = array<i32>} : memref<512xi32, #tpu.memory_space<vmem>>, vector<16xi32>,
    %add3A_100 = arith.addi %get3A_99, %broadcast_in_dim3A_9 : vector<16xi32>
    %swap3A_101 = arith.constant 144 : index
    %swap3A_102 = tpu.vector_load %arg7[%swap3A_101] {strides = array<i32>} : memref<512xi32, #tpu.memory_space<vmem>>, vector<16xi32>,
    tpu.vector_store %arg7[%swap3A_101], %add3A_100 {strides = array<i32>} : memref<512xi32, #tpu.memory_space<vmem>>, vector<16xi32>,
    %get3A_103 = arith.constant 144 : index
    %get3A_104 = tpu.vector_load %arg8[%get3A_103] {strides = array<i32>} : memref<512xi32, #tpu.memory_space<vmem>>, vector<16xi32>,
    %add3A_105 = arith.addi %get3A_104, %broadcast_in_dim3A_9 : vector<16xi32>
    %swap3A_106 = arith.constant 144 : index
    %swap3A_107 = tpu.vector_load %arg8[%swap3A_106] {strides = array<i32>} : memref<512xi32, #tpu.memory_space<vmem>>, vector<16xi32>,
    tpu.vector_store %arg8[%swap3A_106], %add3A_105 {strides = array<i32>} : memref<512xi32, #tpu.memory_space<vmem>>, vector<16xi32>,
    %get3A_108 = arith.constant 160 : index
    %get3A_109 = tpu.vector_load %arg7[%get3A_108] {strides = array<i32>} : memref<512xi32, #tpu.memory_space<vmem>>, vector<16xi32>,
    %add3A_110 = arith.addi %get3A_109, %broadcast_in_dim3A_9 : vector<16xi32>
    %swap3A_111 = arith.constant 160 : index
    %swap3A_112 = tpu.vector_load %arg7[%swap3A_111] {strides = array<i32>} : memref<512xi32, #tpu.memory_space<vmem>>, vector<16xi32>,
    tpu.vector_store %arg7[%swap3A_111], %add3A_110 {strides = array<i32>} : memref<512xi32, #tpu.memory_space<vmem>>, vector<16xi32>,
    %get3A_113 = arith.constant 160 : index
    %get3A_114 = tpu.vector_load %arg8[%get3A_113] {strides = array<i32>} : memref<512xi32, #tpu.memory_space<vmem>>, vector<16xi32>,
    %add3A_115 = arith.addi %get3A_114, %broadcast_in_dim3A_9 : vector<16xi32>
    %swap3A_116 = arith.constant 160 : index
    %swap3A_117 = tpu.vector_load %arg8[%swap3A_116] {strides = array<i32>} : memref<512xi32, #tpu.memory_space<vmem>>, vector<16xi32>,
    tpu.vector_store %arg8[%swap3A_116], %add3A_115 {strides = array<i32>} : memref<512xi32, #tpu.memory_space<vmem>>, vector<16xi32>,
    %get3A_118 = arith.constant 176 : index
    %get3A_119 = tpu.vector_load %arg7[%get3A_118] {strides = array<i32>} : memref<512xi32, #tpu.memory_space<vmem>>, vector<16xi32>,
    %add3A_120 = arith.addi %get3A_119, %broadcast_in_dim3A_9 : vector<16xi32>
    %swap3A_121 = arith.constant 176 : index
    %swap3A_122 = tpu.vector_load %arg7[%swap3A_121] {strides = array<i32>} : memref<512xi32, #tpu.memory_space<vmem>>, vector<16xi32>,
    tpu.vector_store %arg7[%swap3A_121], %add3A_120 {strides = array<i32>} : memref<512xi32, #tpu.memory_space<vmem>>, vector<16xi32>,
    %get3A_123 = arith.constant 176 : index
    %get3A_124 = tpu.vector_load %arg8[%get3A_123] {strides = array<i32>} : memref<512xi32, #tpu.memory_space<vmem>>, vector<16xi32>,
    %add3A_125 = arith.addi %get3A_124, %broadcast_in_dim3A_9 : vector<16xi32>
    %swap3A_126 = arith.constant 176 : index
    %swap3A_127 = tpu.vector_load %arg8[%swap3A_126] {strides = array<i32>} : memref<512xi32, #tpu.memory_space<vmem>>, vector<16xi32>,
    tpu.vector_store %arg8[%swap3A_126], %add3A_125 {strides = array<i32>} : memref<512xi32, #tpu.memory_space<vmem>>, vector<16xi32>,
    %get3A_128 = arith.constant 192 : index
    %get3A_129 = tpu.vector_load %arg7[%get3A_128] {strides = array<i32>} : memref<512xi32, #tpu.memory_space<vmem>>, vector<16xi32>,
    %add3A_130 = arith.addi %get3A_129, %broadcast_in_dim3A_9 : vector<16xi32>
    %swap3A_131 = arith.constant 192 : index
    %swap3A_132 = tpu.vector_load %arg7[%swap3A_131] {strides = array<i32>} : memref<512xi32, #tpu.memory_space<vmem>>, vector<16xi32>,
    tpu.vector_store %arg7[%swap3A_131], %add3A_130 {strides = array<i32>} : memref<512xi32, #tpu.memory_space<vmem>>, vector<16xi32>,
    %get3A_133 = arith.constant 192 : index
    %get3A_134 = tpu.vector_load %arg8[%get3A_133] {strides = array<i32>} : memref<512xi32, #tpu.memory_space<vmem>>, vector<16xi32>,
    %add3A_135 = arith.addi %get3A_134, %broadcast_in_dim3A_9 : vector<16xi32>
    %swap3A_136 = arith.constant 192 : index
    %swap3A_137 = tpu.vector_load %arg8[%swap3A_136] {strides = array<i32>} : memref<512xi32, #tpu.memory_space<vmem>>, vector<16xi32>,
    tpu.vector_store %arg8[%swap3A_136], %add3A_135 {strides = array<i32>} : memref<512xi32, #tpu.memory_space<vmem>>, vector<16xi32>,
    %get3A_138 = arith.constant 208 : index
    %get3A_139 = tpu.vector_load %arg7[%get3A_138] {strides = array<i32>} : memref<512xi32, #tpu.memory_space<vmem>>, vector<16xi32>,
    %add3A_140 = arith.addi %get3A_139, %broadcast_in_dim3A_9 : vector<16xi32>
    %swap3A_141 = arith.constant 208 : index
    %swap3A_142 = tpu.vector_load %arg7[%swap3A_141] {strides = array<i32>} : memref<512xi32, #tpu.memory_space<vmem>>, vector<16xi32>,
    tpu.vector_store %arg7[%swap3A_141], %add3A_140 {strides = array<i32>} : memref<512xi32, #tpu.memory_space<vmem>>, vector<16xi32>,
    %get3A_143 = arith.constant 208 : index
    %get3A_144 = tpu.vector_load %arg8[%get3A_143] {strides = array<i32>} : memref<512xi32, #tpu.memory_space<vmem>>, vector<16xi32>,
    %add3A_145 = arith.addi %get3A_144, %broadcast_in_dim3A_9 : vector<16xi32>
    %swap3A_146 = arith.constant 208 : index
    %swap3A_147 = tpu.vector_load %arg8[%swap3A_146] {strides = array<i32>} : memref<512xi32, #tpu.memory_space<vmem>>, vector<16xi32>,
    tpu.vector_store %arg8[%swap3A_146], %add3A_145 {strides = array<i32>} : memref<512xi32, #tpu.memory_space<vmem>>, vector<16xi32>,
    %get3A_148 = arith.constant 224 : index
    %get3A_149 = tpu.vector_load %arg7[%get3A_148] {strides = array<i32>} : memref<512xi32, #tpu.memory_space<vmem>>, vector<16xi32>,
    %add3A_150 = arith.addi %get3A_149, %broadcast_in_dim3A_9 : vector<16xi32>
    %swap3A_151 = arith.constant 224 : index
    %swap3A_152 = tpu.vector_load %arg7[%swap3A_151] {strides = array<i32>} : memref<512xi32, #tpu.memory_space<vmem>>, vector<16xi32>,
    tpu.vector_store %arg7[%swap3A_151], %add3A_150 {strides = array<i32>} : memref<512xi32, #tpu.memory_space<vmem>>, vector<16xi32>,
    %get3A_153 = arith.constant 224 : index
    %get3A_154 = tpu.vector_load %arg8[%get3A_153] {strides = array<i32>} : memref<512xi32, #tpu.memory_space<vmem>>, vector<16xi32>,
    %add3A_155 = arith.addi %get3A_154, %broadcast_in_dim3A_9 : vector<16xi32>
    %swap3A_156 = arith.constant 224 : index
    %swap3A_157 = tpu.vector_load %arg8[%swap3A_156] {strides = array<i32>} : memref<512xi32, #tpu.memory_space<vmem>>, vector<16xi32>,
    tpu.vector_store %arg8[%swap3A_156], %add3A_155 {strides = array<i32>} : memref<512xi32, #tpu.memory_space<vmem>>, vector<16xi32>,
    %get3A_158 = arith.constant 240 : index
    %get3A_159 = tpu.vector_load %arg7[%get3A_158] {strides = array<i32>} : memref<512xi32, #tpu.memory_space<vmem>>, vector<16xi32>,
    %add3A_160 = arith.addi %get3A_159, %broadcast_in_dim3A_9 : vector<16xi32>
    %swap3A_161 = arith.constant 240 : index
    %swap3A_162 = tpu.vector_load %arg7[%swap3A_161] {strides = array<i32>} : memref<512xi32, #tpu.memory_space<vmem>>, vector<16xi32>,
    tpu.vector_store %arg7[%swap3A_161], %add3A_160 {strides = array<i32>} : memref<512xi32, #tpu.memory_space<vmem>>, vector<16xi32>,
    %get3A_163 = arith.constant 240 : index
    %get3A_164 = tpu.vector_load %arg8[%get3A_163] {strides = array<i32>} : memref<512xi32, #tpu.memory_space<vmem>>, vector<16xi32>,
    %add3A_165 = arith.addi %get3A_164, %broadcast_in_dim3A_9 : vector<16xi32>
    %swap3A_166 = arith.constant 240 : index
    %swap3A_167 = tpu.vector_load %arg8[%swap3A_166] {strides = array<i32>} : memref<512xi32, #tpu.memory_space<vmem>>, vector<16xi32>,
    tpu.vector_store %arg8[%swap3A_166], %add3A_165 {strides = array<i32>} : memref<512xi32, #tpu.memory_space<vmem>>, vector<16xi32>,
    %get3A_168 = arith.constant 256 : index
    %get3A_169 = tpu.vector_load %arg7[%get3A_168] {strides = array<i32>} : memref<512xi32, #tpu.memory_space<vmem>>, vector<16xi32>,
    %add3A_170 = arith.addi %get3A_169, %broadcast_in_dim3A_9 : vector<16xi32>
    %swap3A_171 = arith.constant 256 : index
    %swap3A_172 = tpu.vector_load %arg7[%swap3A_171] {strides = array<i32>} : memref<512xi32, #tpu.memory_space<vmem>>, vector<16xi32>,
    tpu.vector_store %arg7[%swap3A_171], %add3A_170 {strides = array<i32>} : memref<512xi32, #tpu.memory_space<vmem>>, vector<16xi32>,
    %get3A_173 = arith.constant 256 : index
    %get3A_174 = tpu.vector_load %arg8[%get3A_173] {strides = array<i32>} : memref<512xi32, #tpu.memory_space<vmem>>, vector<16xi32>,
    %add3A_175 = arith.addi %get3A_174, %broadcast_in_dim3A_9 : vector<16xi32>
    %swap3A_176 = arith.constant 256 : index
    %swap3A_177 = tpu.vector_load %arg8[%swap3A_176] {strides = array<i32>} : memref<512xi32, #tpu.memory_space<vmem>>, vector<16xi32>,
    tpu.vector_store %arg8[%swap3A_176], %add3A_175 {strides = array<i32>} : memref<512xi32, #tpu.memory_space<vmem>>, vector<16xi32>,
    %get3A_178 = arith.constant 272 : index
    %get3A_179 = tpu.vector_load %arg7[%get3A_178] {strides = array<i32>} : memref<512xi32, #tpu.memory_space<vmem>>, vector<16xi32>,
    %add3A_180 = arith.addi %get3A_179, %broadcast_in_dim3A_9 : vector<16xi32>
    %swap3A_181 = arith.constant 272 : index
    %swap3A_182 = tpu.vector_load %arg7[%swap3A_181] {strides = array<i32>} : memref<512xi32, #tpu.memory_space<vmem>>, vector<16xi32>,
    tpu.vector_store %arg7[%swap3A_181], %add3A_180 {strides = array<i32>} : memref<512xi32, #tpu.memory_space<vmem>>, vector<16xi32>,
    %get3A_183 = arith.constant 272 : index
    %get3A_184 = tpu.vector_load %arg8[%get3A_183] {strides = array<i32>} : memref<512xi32, #tpu.memory_space<vmem>>, vector<16xi32>,
    %add3A_185 = arith.addi %get3A_184, %broadcast_in_dim3A_9 : vector<16xi32>
    %swap3A_186 = arith.constant 272 : index
    %swap3A_187 = tpu.vector_load %arg8[%swap3A_186] {strides = array<i32>} : memref<512xi32, #tpu.memory_space<vmem>>, vector<16xi32>,
    tpu.vector_store %arg8[%swap3A_186], %add3A_185 {strides = array<i32>} : memref<512xi32, #tpu.memory_space<vmem>>, vector<16xi32>,
    %get3A_188 = arith.constant 288 : index
    %get3A_189 = tpu.vector_load %arg7[%get3A_188] {strides = array<i32>} : memref<512xi32, #tpu.memory_space<vmem>>, vector<16xi32>,
    %add3A_190 = arith.addi %get3A_189, %broadcast_in_dim3A_9 : vector<16xi32>
    %swap3A_191 = arith.constant 288 : index
    %swap3A_192 = tpu.vector_load %arg7[%swap3A_191] {strides = array<i32>} : memref<512xi32, #tpu.memory_space<vmem>>, vector<16xi32>,
    tpu.vector_store %arg7[%swap3A_191], %add3A_190 {strides = array<i32>} : memref<512xi32, #tpu.memory_space<vmem>>, vector<16xi32>,
    %get3A_193 = arith.constant 288 : index
    %get3A_194 = tpu.vector_load %arg8[%get3A_193] {strides = array<i32>} : memref<512xi32, #tpu.memory_space<vmem>>, vector<16xi32>,
    %add3A_195 = arith.addi %get3A_194, %broadcast_in_dim3A_9 : vector<16xi32>
    %swap3A_196 = arith.constant 288 : index
    %swap3A_197 = tpu.vector_load %arg8[%swap3A_196] {strides = array<i32>} : memref<512xi32, #tpu.memory_space<vmem>>, vector<16xi32>,
    tpu.vector_store %arg8[%swap3A_196], %add3A_195 {strides = array<i32>} : memref<512xi32, #tpu.memory_space<vmem>>, vector<16xi32>,
    %get3A_198 = arith.constant 304 : index
    %get3A_199 = tpu.vector_load %arg7[%get3A_198] {strides = array<i32>} : memref<512xi32, #tpu.memory_space<vmem>>, vector<16xi32>,
    %add3A_200 = arith.addi %get3A_199, %broadcast_in_dim3A_9 : vector<16xi32>
    %swap3A_201 = arith.constant 304 : index
    %swap3A_202 = tpu.vector_load %arg7[%swap3A_201] {strides = array<i32>} : memref<512xi32, #tpu.memory_space<vmem>>, vector<16xi32>,
    tpu.vector_store %arg7[%swap3A_201], %add3A_200 {strides = array<i32>} : memref<512xi32, #tpu.memory_space<vmem>>, vector<16xi32>,
    %get3A_203 = arith.constant 304 : index
    %get3A_204 = tpu.vector_load %arg8[%get3A_203] {strides = array<i32>} : memref<512xi32, #tpu.memory_space<vmem>>, vector<16xi32>,
    %add3A_205 = arith.addi %get3A_204, %broadcast_in_dim3A_9 : vector<16xi32>
    %swap3A_206 = arith.constant 304 : index
    %swap3A_207 = tpu.vector_load %arg8[%swap3A_206] {strides = array<i32>} : memref<512xi32, #tpu.memory_space<vmem>>, vector<16xi32>,
    tpu.vector_store %arg8[%swap3A_206], %add3A_205 {strides = array<i32>} : memref<512xi32, #tpu.memory_space<vmem>>, vector<16xi32>,
    %get3A_208 = arith.constant 320 : index
    %get3A_209 = tpu.vector_load %arg7[%get3A_208] {strides = array<i32>} : memref<512xi32, #tpu.memory_space<vmem>>, vector<16xi32>,
    %add3A_210 = arith.addi %get3A_209, %broadcast_in_dim3A_9 : vector<16xi32>
    %swap3A_211 = arith.constant 320 : index
    %swap3A_212 = tpu.vector_load %arg7[%swap3A_211] {strides = array<i32>} : memref<512xi32, #tpu.memory_space<vmem>>, vector<16xi32>,
    tpu.vector_store %arg7[%swap3A_211], %add3A_210 {strides = array<i32>} : memref<512xi32, #tpu.memory_space<vmem>>, vector<16xi32>,
    %get3A_213 = arith.constant 320 : index
    %get3A_214 = tpu.vector_load %arg8[%get3A_213] {strides = array<i32>} : memref<512xi32, #tpu.memory_space<vmem>>, vector<16xi32>,
    %add3A_215 = arith.addi %get3A_214, %broadcast_in_dim3A_9 : vector<16xi32>
    %swap3A_216 = arith.constant 320 : index
    %swap3A_217 = tpu.vector_load %arg8[%swap3A_216] {strides = array<i32>} : memref<512xi32, #tpu.memory_space<vmem>>, vector<16xi32>,
    tpu.vector_store %arg8[%swap3A_216], %add3A_215 {strides = array<i32>} : memref<512xi32, #tpu.memory_space<vmem>>, vector<16xi32>,
    %get3A_218 = arith.constant 336 : index
    %get3A_219 = tpu.vector_load %arg7[%get3A_218] {strides = array<i32>} : memref<512xi32, #tpu.memory_space<vmem>>, vector<16xi32>,
    %add3A_220 = arith.addi %get3A_219, %broadcast_in_dim3A_9 : vector<16xi32>
    %swap3A_221 = arith.constant 336 : index
    %swap3A_222 = tpu.vector_load %arg7[%swap3A_221] {strides = array<i32>} : memref<512xi32, #tpu.memory_space<vmem>>, vector<16xi32>,
    tpu.vector_store %arg7[%swap3A_221], %add3A_220 {strides = array<i32>} : memref<512xi32, #tpu.memory_space<vmem>>, vector<16xi32>,
    %get3A_223 = arith.constant 336 : index
    %get3A_224 = tpu.vector_load %arg8[%get3A_223] {strides = array<i32>} : memref<512xi32, #tpu.memory_space<vmem>>, vector<16xi32>,
    %add3A_225 = arith.addi %get3A_224, %broadcast_in_dim3A_9 : vector<16xi32>
    %swap3A_226 = arith.constant 336 : index
    %swap3A_227 = tpu.vector_load %arg8[%swap3A_226] {strides = array<i32>} : memref<512xi32, #tpu.memory_space<vmem>>, vector<16xi32>,
    tpu.vector_store %arg8[%swap3A_226], %add3A_225 {strides = array<i32>} : memref<512xi32, #tpu.memory_space<vmem>>, vector<16xi32>,
    %get3A_228 = arith.constant 352 : index
    %get3A_229 = tpu.vector_load %arg7[%get3A_228] {strides = array<i32>} : memref<512xi32, #tpu.memory_space<vmem>>, vector<16xi32>,
    %add3A_230 = arith.addi %get3A_229, %broadcast_in_dim3A_9 : vector<16xi32>
    %swap3A_231 = arith.constant 352 : index
    %swap3A_232 = tpu.vector_load %arg7[%swap3A_231] {strides = array<i32>} : memref<512xi32, #tpu.memory_space<vmem>>, vector<16xi32>,
    tpu.vector_store %arg7[%swap3A_231], %add3A_230 {strides = array<i32>} : memref<512xi32, #tpu.memory_space<vmem>>, vector<16xi32>,
    %get3A_233 = arith.constant 352 : index
    %get3A_234 = tpu.vector_load %arg8[%get3A_233] {strides = array<i32>} : memref<512xi32, #tpu.memory_space<vmem>>, vector<16xi32>,
    %add3A_235 = arith.addi %get3A_234, %broadcast_in_dim3A_9 : vector<16xi32>
    %swap3A_236 = arith.constant 352 : index
    %swap3A_237 = tpu.vector_load %arg8[%swap3A_236] {strides = array<i32>} : memref<512xi32, #tpu.memory_space<vmem>>, vector<16xi32>,
    tpu.vector_store %arg8[%swap3A_236], %add3A_235 {strides = array<i32>} : memref<512xi32, #tpu.memory_space<vmem>>, vector<16xi32>,
    %get3A_238 = arith.constant 368 : index
    %get3A_239 = tpu.vector_load %arg7[%get3A_238] {strides = array<i32>} : memref<512xi32, #tpu.memory_space<vmem>>, vector<16xi32>,
    %add3A_240 = arith.addi %get3A_239, %broadcast_in_dim3A_9 : vector<16xi32>
    %swap3A_241 = arith.constant 368 : index
    %swap3A_242 = tpu.vector_load %arg7[%swap3A_241] {strides = array<i32>} : memref<512xi32, #tpu.memory_space<vmem>>, vector<16xi32>,
    tpu.vector_store %arg7[%swap3A_241], %add3A_240 {strides = array<i32>} : memref<512xi32, #tpu.memory_space<vmem>>, vector<16xi32>,
    %get3A_243 = arith.constant 368 : index
    %get3A_244 = tpu.vector_load %arg8[%get3A_243] {strides = array<i32>} : memref<512xi32, #tpu.memory_space<vmem>>, vector<16xi32>,
    %add3A_245 = arith.addi %get3A_244, %broadcast_in_dim3A_9 : vector<16xi32>
    %swap3A_246 = arith.constant 368 : index
    %swap3A_247 = tpu.vector_load %arg8[%swap3A_246] {strides = array<i32>} : memref<512xi32, #tpu.memory_space<vmem>>, vector<16xi32>,
    tpu.vector_store %arg8[%swap3A_246], %add3A_245 {strides = array<i32>} : memref<512xi32, #tpu.memory_space<vmem>>, vector<16xi32>,
    %get3A_248 = arith.constant 384 : index
    %get3A_249 = tpu.vector_load %arg7[%get3A_248] {strides = array<i32>} : memref<512xi32, #tpu.memory_space<vmem>>, vector<16xi32>,
    %add3A_250 = arith.addi %get3A_249, %broadcast_in_dim3A_9 : vector<16xi32>
    %swap3A_251 = arith.constant 384 : index
    %swap3A_252 = tpu.vector_load %arg7[%swap3A_251] {strides = array<i32>} : memref<512xi32, #tpu.memory_space<vmem>>, vector<16xi32>,
    tpu.vector_store %arg7[%swap3A_251], %add3A_250 {strides = array<i32>} : memref<512xi32, #tpu.memory_space<vmem>>, vector<16xi32>,
    %get3A_253 = arith.constant 384 : index
    %get3A_254 = tpu.vector_load %arg8[%get3A_253] {strides = array<i32>} : memref<512xi32, #tpu.memory_space<vmem>>, vector<16xi32>,
    %add3A_255 = arith.addi %get3A_254, %broadcast_in_dim3A_9 : vector<16xi32>
    %swap3A_256 = arith.constant 384 : index
    %swap3A_257 = tpu.vector_load %arg8[%swap3A_256] {strides = array<i32>} : memref<512xi32, #tpu.memory_space<vmem>>, vector<16xi32>,
    tpu.vector_store %arg8[%swap3A_256], %add3A_255 {strides = array<i32>} : memref<512xi32, #tpu.memory_space<vmem>>, vector<16xi32>,
    %get3A_258 = arith.constant 400 : index
    %get3A_259 = tpu.vector_load %arg7[%get3A_258] {strides = array<i32>} : memref<512xi32, #tpu.memory_space<vmem>>, vector<16xi32>,
    %add3A_260 = arith.addi %get3A_259, %broadcast_in_dim3A_9 : vector<16xi32>
    %swap3A_261 = arith.constant 400 : index
    %swap3A_262 = tpu.vector_load %arg7[%swap3A_261] {strides = array<i32>} : memref<512xi32, #tpu.memory_space<vmem>>, vector<16xi32>,
    tpu.vector_store %arg7[%swap3A_261], %add3A_260 {strides = array<i32>} : memref<512xi32, #tpu.memory_space<vmem>>, vector<16xi32>,
    %get3A_263 = arith.constant 400 : index
    %get3A_264 = tpu.vector_load %arg8[%get3A_263] {strides = array<i32>} : memref<512xi32, #tpu.memory_space<vmem>>, vector<16xi32>,
    %add3A_265 = arith.addi %get3A_264, %broadcast_in_dim3A_9 : vector<16xi32>
    %swap3A_266 = arith.constant 400 : index
    %swap3A_267 = tpu.vector_load %arg8[%swap3A_266] {strides = array<i32>} : memref<512xi32, #tpu.memory_space<vmem>>, vector<16xi32>,
    tpu.vector_store %arg8[%swap3A_266], %add3A_265 {strides = array<i32>} : memref<512xi32, #tpu.memory_space<vmem>>, vector<16xi32>,
    %get3A_268 = arith.constant 416 : index
    %get3A_269 = tpu.vector_load %arg7[%get3A_268] {strides = array<i32>} : memref<512xi32, #tpu.memory_space<vmem>>, vector<16xi32>,
    %add3A_270 = arith.addi %get3A_269, %broadcast_in_dim3A_9 : vector<16xi32>
    %swap3A_271 = arith.constant 416 : index
    %swap3A_272 = tpu.vector_load %arg7[%swap3A_271] {strides = array<i32>} : memref<512xi32, #tpu.memory_space<vmem>>, vector<16xi32>,
    tpu.vector_store %arg7[%swap3A_271], %add3A_270 {strides = array<i32>} : memref<512xi32, #tpu.memory_space<vmem>>, vector<16xi32>,
    %get3A_273 = arith.constant 416 : index
    %get3A_274 = tpu.vector_load %arg8[%get3A_273] {strides = array<i32>} : memref<512xi32, #tpu.memory_space<vmem>>, vector<16xi32>,
    %add3A_275 = arith.addi %get3A_274, %broadcast_in_dim3A_9 : vector<16xi32>
    %swap3A_276 = arith.constant 416 : index
    %swap3A_277 = tpu.vector_load %arg8[%swap3A_276] {strides = array<i32>} : memref<512xi32, #tpu.memory_space<vmem>>, vector<16xi32>,
    tpu.vector_store %arg8[%swap3A_276], %add3A_275 {strides = array<i32>} : memref<512xi32, #tpu.memory_space<vmem>>, vector<16xi32>,
    %get3A_278 = arith.constant 432 : index
    %get3A_279 = tpu.vector_load %arg7[%get3A_278] {strides = array<i32>} : memref<512xi32, #tpu.memory_space<vmem>>, vector<16xi32>,
    %add3A_280 = arith.addi %get3A_279, %broadcast_in_dim3A_9 : vector<16xi32>
    %swap3A_281 = arith.constant 432 : index
    %swap3A_282 = tpu.vector_load %arg7[%swap3A_281] {strides = array<i32>} : memref<512xi32, #tpu.memory_space<vmem>>, vector<16xi32>,
    tpu.vector_store %arg7[%swap3A_281], %add3A_280 {strides = array<i32>} : memref<512xi32, #tpu.memory_space<vmem>>, vector<16xi32>,
    %get3A_283 = arith.constant 432 : index
    %get3A_284 = tpu.vector_load %arg8[%get3A_283] {strides = array<i32>} : memref<512xi32, #tpu.memory_space<vmem>>, vector<16xi32>,
    %add3A_285 = arith.addi %get3A_284, %broadcast_in_dim3A_9 : vector<16xi32>
    %swap3A_286 = arith.constant 432 : index
    %swap3A_287 = tpu.vector_load %arg8[%swap3A_286] {strides = array<i32>} : memref<512xi32, #tpu.memory_space<vmem>>, vector<16xi32>,
    tpu.vector_store %arg8[%swap3A_286], %add3A_285 {strides = array<i32>} : memref<512xi32, #tpu.memory_space<vmem>>, vector<16xi32>,
    %get3A_288 = arith.constant 448 : index
    %get3A_289 = tpu.vector_load %arg7[%get3A_288] {strides = array<i32>} : memref<512xi32, #tpu.memory_space<vmem>>, vector<16xi32>,
    %add3A_290 = arith.addi %get3A_289, %broadcast_in_dim3A_9 : vector<16xi32>
    %swap3A_291 = arith.constant 448 : index
    %swap3A_292 = tpu.vector_load %arg7[%swap3A_291] {strides = array<i32>} : memref<512xi32, #tpu.memory_space<vmem>>, vector<16xi32>,
    tpu.vector_store %arg7[%swap3A_291], %add3A_290 {strides = array<i32>} : memref<512xi32, #tpu.memory_space<vmem>>, vector<16xi32>,
    %get3A_293 = arith.constant 448 : index
    %get3A_294 = tpu.vector_load %arg8[%get3A_293] {strides = array<i32>} : memref<512xi32, #tpu.memory_space<vmem>>, vector<16xi32>,
    %add3A_295 = arith.addi %get3A_294, %broadcast_in_dim3A_9 : vector<16xi32>
    %swap3A_296 = arith.constant 448 : index
    %swap3A_297 = tpu.vector_load %arg8[%swap3A_296] {strides = array<i32>} : memref<512xi32, #tpu.memory_space<vmem>>, vector<16xi32>,
    tpu.vector_store %arg8[%swap3A_296], %add3A_295 {strides = array<i32>} : memref<512xi32, #tpu.memory_space<vmem>>, vector<16xi32>,
    %get3A_298 = arith.constant 464 : index
    %get3A_299 = tpu.vector_load %arg7[%get3A_298] {strides = array<i32>} : memref<512xi32, #tpu.memory_space<vmem>>, vector<16xi32>,
    %add3A_300 = arith.addi %get3A_299, %broadcast_in_dim3A_9 : vector<16xi32>
    %swap3A_301 = arith.constant 464 : index
    %swap3A_302 = tpu.vector_load %arg7[%swap3A_301] {strides = array<i32>} : memref<512xi32, #tpu.memory_space<vmem>>, vector<16xi32>,
    tpu.vector_store %arg7[%swap3A_301], %add3A_300 {strides = array<i32>} : memref<512xi32, #tpu.memory_space<vmem>>, vector<16xi32>,
    %get3A_303 = arith.constant 464 : index
    %get3A_304 = tpu.vector_load %arg8[%get3A_303] {strides = array<i32>} : memref<512xi32, #tpu.memory_space<vmem>>, vector<16xi32>,
    %add3A_305 = arith.addi %get3A_304, %broadcast_in_dim3A_9 : vector<16xi32>
    %swap3A_306 = arith.constant 464 : index
    %swap3A_307 = tpu.vector_load %arg8[%swap3A_306] {strides = array<i32>} : memref<512xi32, #tpu.memory_space<vmem>>, vector<16xi32>,
    tpu.vector_store %arg8[%swap3A_306], %add3A_305 {strides = array<i32>} : memref<512xi32, #tpu.memory_space<vmem>>, vector<16xi32>,
    %get3A_308 = arith.constant 480 : index
    %get3A_309 = tpu.vector_load %arg7[%get3A_308] {strides = array<i32>} : memref<512xi32, #tpu.memory_space<vmem>>, vector<16xi32>,
    %add3A_310 = arith.addi %get3A_309, %broadcast_in_dim3A_9 : vector<16xi32>
    %swap3A_311 = arith.constant 480 : index
    %swap3A_312 = tpu.vector_load %arg7[%swap3A_311] {strides = array<i32>} : memref<512xi32, #tpu.memory_space<vmem>>, vector<16xi32>,
    tpu.vector_store %arg7[%swap3A_311], %add3A_310 {strides = array<i32>} : memref<512xi32, #tpu.memory_space<vmem>>, vector<16xi32>,
    %get3A_313 = arith.constant 480 : index
    %get3A_314 = tpu.vector_load %arg8[%get3A_313] {strides = array<i32>} : memref<512xi32, #tpu.memory_space<vmem>>, vector<16xi32>,
    %add3A_315 = arith.addi %get3A_314, %broadcast_in_dim3A_9 : vector<16xi32>
    %swap3A_316 = arith.constant 480 : index
    %swap3A_317 = tpu.vector_load %arg8[%swap3A_316] {strides = array<i32>} : memref<512xi32, #tpu.memory_space<vmem>>, vector<16xi32>,
    tpu.vector_store %arg8[%swap3A_316], %add3A_315 {strides = array<i32>} : memref<512xi32, #tpu.memory_space<vmem>>, vector<16xi32>,
    %get3A_318 = arith.constant 496 : index
    %get3A_319 = tpu.vector_load %arg7[%get3A_318] {strides = array<i32>} : memref<512xi32, #tpu.memory_space<vmem>>, vector<16xi32>,
    %add3A_320 = arith.addi %get3A_319, %broadcast_in_dim3A_9 : vector<16xi32>
    %swap3A_321 = arith.constant 496 : index
    %swap3A_322 = tpu.vector_load %arg7[%swap3A_321] {strides = array<i32>} : memref<512xi32, #tpu.memory_space<vmem>>, vector<16xi32>,
    tpu.vector_store %arg7[%swap3A_321], %add3A_320 {strides = array<i32>} : memref<512xi32, #tpu.memory_space<vmem>>, vector<16xi32>,
    %get3A_323 = arith.constant 496 : index
    %get3A_324 = tpu.vector_load %arg8[%get3A_323] {strides = array<i32>} : memref<512xi32, #tpu.memory_space<vmem>>, vector<16xi32>,
    %add3A_325 = arith.addi %get3A_324, %broadcast_in_dim3A_9 : vector<16xi32>
    %swap3A_326 = arith.constant 496 : index
    %swap3A_327 = tpu.vector_load %arg8[%swap3A_326] {strides = array<i32>} : memref<512xi32, #tpu.memory_space<vmem>>, vector<16xi32>,
    tpu.vector_store %arg8[%swap3A_326], %add3A_325 {strides = array<i32>} : memref<512xi32, #tpu.memory_space<vmem>>, vector<16xi32>,
    %dma_start3A_328 = arith.constant 0 : i32
    %dma_start3A_329 = arith.constant 0 : i32
    %dma_start3A_330 = tpu.memref_slice %arg4[%dma_start3A_328, %dma_start3A_329] : memref<1000001x64xf32, #tpu.memory_space<hbm>> -> memref<1000001x64xf32, #tpu.memory_space<hbm>>
    tpu.enqueue_indirect_dma source(%dma_start3A_330 : memref<1000001x64xf32, #tpu.memory_space<hbm>>) target(%arg9 : memref<512x64xf32, #tpu.memory_space<vmem>>) offsets(%arg7 : memref<512xi32, #tpu.memory_space<vmem>>) semaphore(%arg13 : memref<!tpu.dma_semaphore, #tpu.memory_space<semaphore_mem>>)
    %dma_start3A_331 = arith.constant 0 : i32
    %dma_start3A_332 = arith.constant 0 : i32
    %dma_start3A_333 = tpu.memref_slice %arg5[%dma_start3A_331, %dma_start3A_332] : memref<1000001x64xf32, #tpu.memory_space<hbm>> -> memref<1000001x64xf32, #tpu.memory_space<hbm>>
    tpu.enqueue_indirect_dma source(%dma_start3A_333 : memref<1000001x64xf32, #tpu.memory_space<hbm>>) target(%arg10 : memref<512x64xf32, #tpu.memory_space<vmem>>) offsets(%arg8 : memref<512xi32, #tpu.memory_space<vmem>>) semaphore(%arg13 : memref<!tpu.dma_semaphore, #tpu.memory_space<semaphore_mem>>)
    %dma_wait3A_334 = arith.constant 0 : i32
    %dma_wait3A_335 = arith.constant 0 : i32
    %dma_wait3A_336 = tpu.memref_slice %arg4[%dma_wait3A_334, %dma_wait3A_335] : memref<1000001x64xf32, #tpu.memory_space<hbm>> -> memref<1000001x64xf32, #tpu.memory_space<hbm>>
    tpu.wait_indirect_dma semaphore(%arg13 : memref<!tpu.dma_semaphore, #tpu.memory_space<semaphore_mem>>) src(%dma_wait3A_336 : memref<1000001x64xf32, #tpu.memory_space<hbm>>) dst(%arg9 : memref<512x64xf32, #tpu.memory_space<vmem>>)
    %dma_wait3A_337 = arith.constant 0 : i32
    %dma_wait3A_338 = arith.constant 0 : i32
    %dma_wait3A_339 = tpu.memref_slice %arg5[%dma_wait3A_337, %dma_wait3A_338] : memref<1000001x64xf32, #tpu.memory_space<hbm>> -> memref<1000001x64xf32, #tpu.memory_space<hbm>>
    tpu.wait_indirect_dma semaphore(%arg13 : memref<!tpu.dma_semaphore, #tpu.memory_space<semaphore_mem>>) src(%dma_wait3A_339 : memref<1000001x64xf32, #tpu.memory_space<hbm>>) dst(%arg10 : memref<512x64xf32, #tpu.memory_space<vmem>>)
    %iota3A = tpu.iota {dimensions = array<i32: 0>} : vector<16xi32>
    %scan3A = arith.constant 0 : i32
    %scan3A_340 = arith.constant 0 : i32
    %scan3A_341 = arith.constant 32 : i32
    %scan3A_342 = arith.addi %scan3A_340, %scan3A_341 : i32
    %scan3A_343 = arith.constant 1 : i32
    scf.for %scan3A_345 = %scan3A_340 to %scan3A_342 step %scan3A_343  : i32 {
      %broadcast_in_dim3A_346 = arith.constant 0.000000e+00 : f32
      %broadcast_in_dim3A_347 = vector.broadcast %broadcast_in_dim3A_346 : f32 to vector<16xf32>
      %mul3A_348 = arith.constant 16 : i32
      %mul3A_349 = arith.muli %scan3A_345, %mul3A_348 : i32
      %add3A_350 = arith.constant 0 : i32
      %add3A_351 = arith.addi %mul3A_349, %add3A_350 : i32
      %broadcast_in_dim3A_352 = arith.constant 0.000000e+00 : f32
      %broadcast_in_dim3A_353 = vector.broadcast %broadcast_in_dim3A_352 : f32 to vector<16xf32>
      %get3A_354 = arith.index_cast %add3A_351 : i32 to index
      %get3A_355 = arith.constant 0 : index
      %get3A_356 = tpu.vector_load %arg9[%get3A_354, %get3A_355] {strides = array<i32>} : memref<512x64xf32, #tpu.memory_space<vmem>>, vector<16xf32>,
      %get3A_357 = arith.index_cast %add3A_351 : i32 to index
      %get3A_358 = arith.constant 0 : index
      %get3A_359 = tpu.vector_load %arg10[%get3A_357, %get3A_358] {strides = array<i32>} : memref<512x64xf32, #tpu.memory_space<vmem>>, vector<16xf32>,
      %mul3A_360 = arith.mulf %get3A_356, %get3A_359 : vector<16xf32>
      %add3A_361 = arith.addf %broadcast_in_dim3A_353, %mul3A_360 : vector<16xf32>
      %get3A_362 = arith.index_cast %add3A_351 : i32 to index
      %get3A_363 = arith.constant 16 : index
      %get3A_364 = tpu.vector_load %arg9[%get3A_362, %get3A_363] {strides = array<i32>} : memref<512x64xf32, #tpu.memory_space<vmem>>, vector<16xf32>,
      %get3A_365 = arith.index_cast %add3A_351 : i32 to index
      %get3A_366 = arith.constant 16 : index
      %get3A_367 = tpu.vector_load %arg10[%get3A_365, %get3A_366] {strides = array<i32>} : memref<512x64xf32, #tpu.memory_space<vmem>>, vector<16xf32>,
      %mul3A_368 = arith.mulf %get3A_364, %get3A_367 : vector<16xf32>
      %add3A_369 = arith.addf %add3A_361, %mul3A_368 : vector<16xf32>
      %get3A_370 = arith.index_cast %add3A_351 : i32 to index
      %get3A_371 = arith.constant 32 : index
      %get3A_372 = tpu.vector_load %arg9[%get3A_370, %get3A_371] {strides = array<i32>} : memref<512x64xf32, #tpu.memory_space<vmem>>, vector<16xf32>,
      %get3A_373 = arith.index_cast %add3A_351 : i32 to index
      %get3A_374 = arith.constant 32 : index
      %get3A_375 = tpu.vector_load %arg10[%get3A_373, %get3A_374] {strides = array<i32>} : memref<512x64xf32, #tpu.memory_space<vmem>>, vector<16xf32>,
      %mul3A_376 = arith.mulf %get3A_372, %get3A_375 : vector<16xf32>
      %add3A_377 = arith.addf %add3A_369, %mul3A_376 : vector<16xf32>
      %get3A_378 = arith.index_cast %add3A_351 : i32 to index
      %get3A_379 = arith.constant 48 : index
      %get3A_380 = tpu.vector_load %arg9[%get3A_378, %get3A_379] {strides = array<i32>} : memref<512x64xf32, #tpu.memory_space<vmem>>, vector<16xf32>,
      %get3A_381 = arith.index_cast %add3A_351 : i32 to index
      %get3A_382 = arith.constant 48 : index
      %get3A_383 = tpu.vector_load %arg10[%get3A_381, %get3A_382] {strides = array<i32>} : memref<512x64xf32, #tpu.memory_space<vmem>>, vector<16xf32>,
      %mul3A_384 = arith.mulf %get3A_380, %get3A_383 : vector<16xf32>
      %add3A_385 = arith.addf %add3A_377, %mul3A_384 : vector<16xf32>
      %reduce_sum3A = arith.constant true
      %reduce_sum3A_386 = vector.broadcast %reduce_sum3A : i1 to vector<16xi1>
      %reduce_sum3A_387 = tpu.scan <sum>, %add3A_385 masked %reduce_sum3A_386 : vector<16xf32>, vector<16xi1> -> vector<16xf32>
      %reduce_sum3A_388 = vector.extract %reduce_sum3A_387[15] : f32 from vector<16xf32>
      %eq3A = arith.constant 0 : i32
      %eq3A_389 = vector.broadcast %eq3A : i32 to vector<16xi32>
      %eq3A_390 = arith.cmpi eq, %iota3A, %eq3A_389 : vector<16xi32>
      %broadcast_in_dim3A_391 = vector.broadcast %reduce_sum3A_388 : f32 to vector<16xf32>
      %select_n3A = arith.select %eq3A_390, %broadcast_in_dim3A_391, %broadcast_in_dim3A_347 : vector<16xi1>, vector<16xf32>
      %mul3A_392 = arith.constant 16 : i32
      %mul3A_393 = arith.muli %scan3A_345, %mul3A_392 : i32
      %add3A_394 = arith.constant 1 : i32
      %add3A_395 = arith.addi %mul3A_393, %add3A_394 : i32
      %broadcast_in_dim3A_396 = arith.constant 0.000000e+00 : f32
      %broadcast_in_dim3A_397 = vector.broadcast %broadcast_in_dim3A_396 : f32 to vector<16xf32>
      %get3A_398 = arith.index_cast %add3A_395 : i32 to index
      %get3A_399 = arith.constant 0 : index
      %get3A_400 = tpu.vector_load %arg9[%get3A_398, %get3A_399] {strides = array<i32>} : memref<512x64xf32, #tpu.memory_space<vmem>>, vector<16xf32>,
      %get3A_401 = arith.index_cast %add3A_395 : i32 to index
      %get3A_402 = arith.constant 0 : index
      %get3A_403 = tpu.vector_load %arg10[%get3A_401, %get3A_402] {strides = array<i32>} : memref<512x64xf32, #tpu.memory_space<vmem>>, vector<16xf32>,
      %mul3A_404 = arith.mulf %get3A_400, %get3A_403 : vector<16xf32>
      %add3A_405 = arith.addf %broadcast_in_dim3A_397, %mul3A_404 : vector<16xf32>
      %get3A_406 = arith.index_cast %add3A_395 : i32 to index
      %get3A_407 = arith.constant 16 : index
      %get3A_408 = tpu.vector_load %arg9[%get3A_406, %get3A_407] {strides = array<i32>} : memref<512x64xf32, #tpu.memory_space<vmem>>, vector<16xf32>,
      %get3A_409 = arith.index_cast %add3A_395 : i32 to index
      %get3A_410 = arith.constant 16 : index
      %get3A_411 = tpu.vector_load %arg10[%get3A_409, %get3A_410] {strides = array<i32>} : memref<512x64xf32, #tpu.memory_space<vmem>>, vector<16xf32>,
      %mul3A_412 = arith.mulf %get3A_408, %get3A_411 : vector<16xf32>
      %add3A_413 = arith.addf %add3A_405, %mul3A_412 : vector<16xf32>
      %get3A_414 = arith.index_cast %add3A_395 : i32 to index
      %get3A_415 = arith.constant 32 : index
      %get3A_416 = tpu.vector_load %arg9[%get3A_414, %get3A_415] {strides = array<i32>} : memref<512x64xf32, #tpu.memory_space<vmem>>, vector<16xf32>,
      %get3A_417 = arith.index_cast %add3A_395 : i32 to index
      %get3A_418 = arith.constant 32 : index
      %get3A_419 = tpu.vector_load %arg10[%get3A_417, %get3A_418] {strides = array<i32>} : memref<512x64xf32, #tpu.memory_space<vmem>>, vector<16xf32>,
      %mul3A_420 = arith.mulf %get3A_416, %get3A_419 : vector<16xf32>
      %add3A_421 = arith.addf %add3A_413, %mul3A_420 : vector<16xf32>
      %get3A_422 = arith.index_cast %add3A_395 : i32 to index
      %get3A_423 = arith.constant 48 : index
      %get3A_424 = tpu.vector_load %arg9[%get3A_422, %get3A_423] {strides = array<i32>} : memref<512x64xf32, #tpu.memory_space<vmem>>, vector<16xf32>,
      %get3A_425 = arith.index_cast %add3A_395 : i32 to index
      %get3A_426 = arith.constant 48 : index
      %get3A_427 = tpu.vector_load %arg10[%get3A_425, %get3A_426] {strides = array<i32>} : memref<512x64xf32, #tpu.memory_space<vmem>>, vector<16xf32>,
      %mul3A_428 = arith.mulf %get3A_424, %get3A_427 : vector<16xf32>
      %add3A_429 = arith.addf %add3A_421, %mul3A_428 : vector<16xf32>
      %reduce_sum3A_430 = arith.constant true
      %reduce_sum3A_431 = vector.broadcast %reduce_sum3A_430 : i1 to vector<16xi1>
      %reduce_sum3A_432 = tpu.scan <sum>, %add3A_429 masked %reduce_sum3A_431 : vector<16xf32>, vector<16xi1> -> vector<16xf32>
      %reduce_sum3A_433 = vector.extract %reduce_sum3A_432[15] : f32 from vector<16xf32>
      %eq3A_434 = arith.constant 1 : i32
      %eq3A_435 = vector.broadcast %eq3A_434 : i32 to vector<16xi32>
      %eq3A_436 = arith.cmpi eq, %iota3A, %eq3A_435 : vector<16xi32>
      %broadcast_in_dim3A_437 = vector.broadcast %reduce_sum3A_433 : f32 to vector<16xf32>
      %select_n3A_438 = arith.select %eq3A_436, %broadcast_in_dim3A_437, %select_n3A : vector<16xi1>, vector<16xf32>
      %mul3A_439 = arith.constant 16 : i32
      %mul3A_440 = arith.muli %scan3A_345, %mul3A_439 : i32
      %add3A_441 = arith.constant 2 : i32
      %add3A_442 = arith.addi %mul3A_440, %add3A_441 : i32
      %broadcast_in_dim3A_443 = arith.constant 0.000000e+00 : f32
      %broadcast_in_dim3A_444 = vector.broadcast %broadcast_in_dim3A_443 : f32 to vector<16xf32>
      %get3A_445 = arith.index_cast %add3A_442 : i32 to index
      %get3A_446 = arith.constant 0 : index
      %get3A_447 = tpu.vector_load %arg9[%get3A_445, %get3A_446] {strides = array<i32>} : memref<512x64xf32, #tpu.memory_space<vmem>>, vector<16xf32>,
      %get3A_448 = arith.index_cast %add3A_442 : i32 to index
      %get3A_449 = arith.constant 0 : index
      %get3A_450 = tpu.vector_load %arg10[%get3A_448, %get3A_449] {strides = array<i32>} : memref<512x64xf32, #tpu.memory_space<vmem>>, vector<16xf32>,
      %mul3A_451 = arith.mulf %get3A_447, %get3A_450 : vector<16xf32>
      %add3A_452 = arith.addf %broadcast_in_dim3A_444, %mul3A_451 : vector<16xf32>
      %get3A_453 = arith.index_cast %add3A_442 : i32 to index
      %get3A_454 = arith.constant 16 : index
      %get3A_455 = tpu.vector_load %arg9[%get3A_453, %get3A_454] {strides = array<i32>} : memref<512x64xf32, #tpu.memory_space<vmem>>, vector<16xf32>,
      %get3A_456 = arith.index_cast %add3A_442 : i32 to index
      %get3A_457 = arith.constant 16 : index
      %get3A_458 = tpu.vector_load %arg10[%get3A_456, %get3A_457] {strides = array<i32>} : memref<512x64xf32, #tpu.memory_space<vmem>>, vector<16xf32>,
      %mul3A_459 = arith.mulf %get3A_455, %get3A_458 : vector<16xf32>
      %add3A_460 = arith.addf %add3A_452, %mul3A_459 : vector<16xf32>
      %get3A_461 = arith.index_cast %add3A_442 : i32 to index
      %get3A_462 = arith.constant 32 : index
      %get3A_463 = tpu.vector_load %arg9[%get3A_461, %get3A_462] {strides = array<i32>} : memref<512x64xf32, #tpu.memory_space<vmem>>, vector<16xf32>,
      %get3A_464 = arith.index_cast %add3A_442 : i32 to index
      %get3A_465 = arith.constant 32 : index
      %get3A_466 = tpu.vector_load %arg10[%get3A_464, %get3A_465] {strides = array<i32>} : memref<512x64xf32, #tpu.memory_space<vmem>>, vector<16xf32>,
      %mul3A_467 = arith.mulf %get3A_463, %get3A_466 : vector<16xf32>
      %add3A_468 = arith.addf %add3A_460, %mul3A_467 : vector<16xf32>
      %get3A_469 = arith.index_cast %add3A_442 : i32 to index
      %get3A_470 = arith.constant 48 : index
      %get3A_471 = tpu.vector_load %arg9[%get3A_469, %get3A_470] {strides = array<i32>} : memref<512x64xf32, #tpu.memory_space<vmem>>, vector<16xf32>,
      %get3A_472 = arith.index_cast %add3A_442 : i32 to index
      %get3A_473 = arith.constant 48 : index
      %get3A_474 = tpu.vector_load %arg10[%get3A_472, %get3A_473] {strides = array<i32>} : memref<512x64xf32, #tpu.memory_space<vmem>>, vector<16xf32>,
      %mul3A_475 = arith.mulf %get3A_471, %get3A_474 : vector<16xf32>
      %add3A_476 = arith.addf %add3A_468, %mul3A_475 : vector<16xf32>
      %reduce_sum3A_477 = arith.constant true
      %reduce_sum3A_478 = vector.broadcast %reduce_sum3A_477 : i1 to vector<16xi1>
      %reduce_sum3A_479 = tpu.scan <sum>, %add3A_476 masked %reduce_sum3A_478 : vector<16xf32>, vector<16xi1> -> vector<16xf32>
      %reduce_sum3A_480 = vector.extract %reduce_sum3A_479[15] : f32 from vector<16xf32>
      %eq3A_481 = arith.constant 2 : i32
      %eq3A_482 = vector.broadcast %eq3A_481 : i32 to vector<16xi32>
      %eq3A_483 = arith.cmpi eq, %iota3A, %eq3A_482 : vector<16xi32>
      %broadcast_in_dim3A_484 = vector.broadcast %reduce_sum3A_480 : f32 to vector<16xf32>
      %select_n3A_485 = arith.select %eq3A_483, %broadcast_in_dim3A_484, %select_n3A_438 : vector<16xi1>, vector<16xf32>
      %mul3A_486 = arith.constant 16 : i32
      %mul3A_487 = arith.muli %scan3A_345, %mul3A_486 : i32
      %add3A_488 = arith.constant 3 : i32
      %add3A_489 = arith.addi %mul3A_487, %add3A_488 : i32
      %broadcast_in_dim3A_490 = arith.constant 0.000000e+00 : f32
      %broadcast_in_dim3A_491 = vector.broadcast %broadcast_in_dim3A_490 : f32 to vector<16xf32>
      %get3A_492 = arith.index_cast %add3A_489 : i32 to index
      %get3A_493 = arith.constant 0 : index
      %get3A_494 = tpu.vector_load %arg9[%get3A_492, %get3A_493] {strides = array<i32>} : memref<512x64xf32, #tpu.memory_space<vmem>>, vector<16xf32>,
      %get3A_495 = arith.index_cast %add3A_489 : i32 to index
      %get3A_496 = arith.constant 0 : index
      %get3A_497 = tpu.vector_load %arg10[%get3A_495, %get3A_496] {strides = array<i32>} : memref<512x64xf32, #tpu.memory_space<vmem>>, vector<16xf32>,
      %mul3A_498 = arith.mulf %get3A_494, %get3A_497 : vector<16xf32>
      %add3A_499 = arith.addf %broadcast_in_dim3A_491, %mul3A_498 : vector<16xf32>
      %get3A_500 = arith.index_cast %add3A_489 : i32 to index
      %get3A_501 = arith.constant 16 : index
      %get3A_502 = tpu.vector_load %arg9[%get3A_500, %get3A_501] {strides = array<i32>} : memref<512x64xf32, #tpu.memory_space<vmem>>, vector<16xf32>,
      %get3A_503 = arith.index_cast %add3A_489 : i32 to index
      %get3A_504 = arith.constant 16 : index
      %get3A_505 = tpu.vector_load %arg10[%get3A_503, %get3A_504] {strides = array<i32>} : memref<512x64xf32, #tpu.memory_space<vmem>>, vector<16xf32>,
      %mul3A_506 = arith.mulf %get3A_502, %get3A_505 : vector<16xf32>
      %add3A_507 = arith.addf %add3A_499, %mul3A_506 : vector<16xf32>
      %get3A_508 = arith.index_cast %add3A_489 : i32 to index
      %get3A_509 = arith.constant 32 : index
      %get3A_510 = tpu.vector_load %arg9[%get3A_508, %get3A_509] {strides = array<i32>} : memref<512x64xf32, #tpu.memory_space<vmem>>, vector<16xf32>,
      %get3A_511 = arith.index_cast %add3A_489 : i32 to index
      %get3A_512 = arith.constant 32 : index
      %get3A_513 = tpu.vector_load %arg10[%get3A_511, %get3A_512] {strides = array<i32>} : memref<512x64xf32, #tpu.memory_space<vmem>>, vector<16xf32>,
      %mul3A_514 = arith.mulf %get3A_510, %get3A_513 : vector<16xf32>
      %add3A_515 = arith.addf %add3A_507, %mul3A_514 : vector<16xf32>
      %get3A_516 = arith.index_cast %add3A_489 : i32 to index
      %get3A_517 = arith.constant 48 : index
      %get3A_518 = tpu.vector_load %arg9[%get3A_516, %get3A_517] {strides = array<i32>} : memref<512x64xf32, #tpu.memory_space<vmem>>, vector<16xf32>,
      %get3A_519 = arith.index_cast %add3A_489 : i32 to index
      %get3A_520 = arith.constant 48 : index
      %get3A_521 = tpu.vector_load %arg10[%get3A_519, %get3A_520] {strides = array<i32>} : memref<512x64xf32, #tpu.memory_space<vmem>>, vector<16xf32>,
      %mul3A_522 = arith.mulf %get3A_518, %get3A_521 : vector<16xf32>
      %add3A_523 = arith.addf %add3A_515, %mul3A_522 : vector<16xf32>
      %reduce_sum3A_524 = arith.constant true
      %reduce_sum3A_525 = vector.broadcast %reduce_sum3A_524 : i1 to vector<16xi1>
      %reduce_sum3A_526 = tpu.scan <sum>, %add3A_523 masked %reduce_sum3A_525 : vector<16xf32>, vector<16xi1> -> vector<16xf32>
      %reduce_sum3A_527 = vector.extract %reduce_sum3A_526[15] : f32 from vector<16xf32>
      %eq3A_528 = arith.constant 3 : i32
      %eq3A_529 = vector.broadcast %eq3A_528 : i32 to vector<16xi32>
      %eq3A_530 = arith.cmpi eq, %iota3A, %eq3A_529 : vector<16xi32>
      %broadcast_in_dim3A_531 = vector.broadcast %reduce_sum3A_527 : f32 to vector<16xf32>
      %select_n3A_532 = arith.select %eq3A_530, %broadcast_in_dim3A_531, %select_n3A_485 : vector<16xi1>, vector<16xf32>
      %mul3A_533 = arith.constant 16 : i32
      %mul3A_534 = arith.muli %scan3A_345, %mul3A_533 : i32
      %add3A_535 = arith.constant 4 : i32
      %add3A_536 = arith.addi %mul3A_534, %add3A_535 : i32
      %broadcast_in_dim3A_537 = arith.constant 0.000000e+00 : f32
      %broadcast_in_dim3A_538 = vector.broadcast %broadcast_in_dim3A_537 : f32 to vector<16xf32>
      %get3A_539 = arith.index_cast %add3A_536 : i32 to index
      %get3A_540 = arith.constant 0 : index
      %get3A_541 = tpu.vector_load %arg9[%get3A_539, %get3A_540] {strides = array<i32>} : memref<512x64xf32, #tpu.memory_space<vmem>>, vector<16xf32>,
      %get3A_542 = arith.index_cast %add3A_536 : i32 to index
      %get3A_543 = arith.constant 0 : index
      %get3A_544 = tpu.vector_load %arg10[%get3A_542, %get3A_543] {strides = array<i32>} : memref<512x64xf32, #tpu.memory_space<vmem>>, vector<16xf32>,
      %mul3A_545 = arith.mulf %get3A_541, %get3A_544 : vector<16xf32>
      %add3A_546 = arith.addf %broadcast_in_dim3A_538, %mul3A_545 : vector<16xf32>
      %get3A_547 = arith.index_cast %add3A_536 : i32 to index
      %get3A_548 = arith.constant 16 : index
      %get3A_549 = tpu.vector_load %arg9[%get3A_547, %get3A_548] {strides = array<i32>} : memref<512x64xf32, #tpu.memory_space<vmem>>, vector<16xf32>,
      %get3A_550 = arith.index_cast %add3A_536 : i32 to index
      %get3A_551 = arith.constant 16 : index
      %get3A_552 = tpu.vector_load %arg10[%get3A_550, %get3A_551] {strides = array<i32>} : memref<512x64xf32, #tpu.memory_space<vmem>>, vector<16xf32>,
      %mul3A_553 = arith.mulf %get3A_549, %get3A_552 : vector<16xf32>
      %add3A_554 = arith.addf %add3A_546, %mul3A_553 : vector<16xf32>
      %get3A_555 = arith.index_cast %add3A_536 : i32 to index
      %get3A_556 = arith.constant 32 : index
      %get3A_557 = tpu.vector_load %arg9[%get3A_555, %get3A_556] {strides = array<i32>} : memref<512x64xf32, #tpu.memory_space<vmem>>, vector<16xf32>,
      %get3A_558 = arith.index_cast %add3A_536 : i32 to index
      %get3A_559 = arith.constant 32 : index
      %get3A_560 = tpu.vector_load %arg10[%get3A_558, %get3A_559] {strides = array<i32>} : memref<512x64xf32, #tpu.memory_space<vmem>>, vector<16xf32>,
      %mul3A_561 = arith.mulf %get3A_557, %get3A_560 : vector<16xf32>
      %add3A_562 = arith.addf %add3A_554, %mul3A_561 : vector<16xf32>
      %get3A_563 = arith.index_cast %add3A_536 : i32 to index
      %get3A_564 = arith.constant 48 : index
      %get3A_565 = tpu.vector_load %arg9[%get3A_563, %get3A_564] {strides = array<i32>} : memref<512x64xf32, #tpu.memory_space<vmem>>, vector<16xf32>,
      %get3A_566 = arith.index_cast %add3A_536 : i32 to index
      %get3A_567 = arith.constant 48 : index
      %get3A_568 = tpu.vector_load %arg10[%get3A_566, %get3A_567] {strides = array<i32>} : memref<512x64xf32, #tpu.memory_space<vmem>>, vector<16xf32>,
      %mul3A_569 = arith.mulf %get3A_565, %get3A_568 : vector<16xf32>
      %add3A_570 = arith.addf %add3A_562, %mul3A_569 : vector<16xf32>
      %reduce_sum3A_571 = arith.constant true
      %reduce_sum3A_572 = vector.broadcast %reduce_sum3A_571 : i1 to vector<16xi1>
      %reduce_sum3A_573 = tpu.scan <sum>, %add3A_570 masked %reduce_sum3A_572 : vector<16xf32>, vector<16xi1> -> vector<16xf32>
      %reduce_sum3A_574 = vector.extract %reduce_sum3A_573[15] : f32 from vector<16xf32>
      %eq3A_575 = arith.constant 4 : i32
      %eq3A_576 = vector.broadcast %eq3A_575 : i32 to vector<16xi32>
      %eq3A_577 = arith.cmpi eq, %iota3A, %eq3A_576 : vector<16xi32>
      %broadcast_in_dim3A_578 = vector.broadcast %reduce_sum3A_574 : f32 to vector<16xf32>
      %select_n3A_579 = arith.select %eq3A_577, %broadcast_in_dim3A_578, %select_n3A_532 : vector<16xi1>, vector<16xf32>
      %mul3A_580 = arith.constant 16 : i32
      %mul3A_581 = arith.muli %scan3A_345, %mul3A_580 : i32
      %add3A_582 = arith.constant 5 : i32
      %add3A_583 = arith.addi %mul3A_581, %add3A_582 : i32
      %broadcast_in_dim3A_584 = arith.constant 0.000000e+00 : f32
      %broadcast_in_dim3A_585 = vector.broadcast %broadcast_in_dim3A_584 : f32 to vector<16xf32>
      %get3A_586 = arith.index_cast %add3A_583 : i32 to index
      %get3A_587 = arith.constant 0 : index
      %get3A_588 = tpu.vector_load %arg9[%get3A_586, %get3A_587] {strides = array<i32>} : memref<512x64xf32, #tpu.memory_space<vmem>>, vector<16xf32>,
      %get3A_589 = arith.index_cast %add3A_583 : i32 to index
      %get3A_590 = arith.constant 0 : index
      %get3A_591 = tpu.vector_load %arg10[%get3A_589, %get3A_590] {strides = array<i32>} : memref<512x64xf32, #tpu.memory_space<vmem>>, vector<16xf32>,
      %mul3A_592 = arith.mulf %get3A_588, %get3A_591 : vector<16xf32>
      %add3A_593 = arith.addf %broadcast_in_dim3A_585, %mul3A_592 : vector<16xf32>
      %get3A_594 = arith.index_cast %add3A_583 : i32 to index
      %get3A_595 = arith.constant 16 : index
      %get3A_596 = tpu.vector_load %arg9[%get3A_594, %get3A_595] {strides = array<i32>} : memref<512x64xf32, #tpu.memory_space<vmem>>, vector<16xf32>,
      %get3A_597 = arith.index_cast %add3A_583 : i32 to index
      %get3A_598 = arith.constant 16 : index
      %get3A_599 = tpu.vector_load %arg10[%get3A_597, %get3A_598] {strides = array<i32>} : memref<512x64xf32, #tpu.memory_space<vmem>>, vector<16xf32>,
      %mul3A_600 = arith.mulf %get3A_596, %get3A_599 : vector<16xf32>
      %add3A_601 = arith.addf %add3A_593, %mul3A_600 : vector<16xf32>
      %get3A_602 = arith.index_cast %add3A_583 : i32 to index
      %get3A_603 = arith.constant 32 : index
      %get3A_604 = tpu.vector_load %arg9[%get3A_602, %get3A_603] {strides = array<i32>} : memref<512x64xf32, #tpu.memory_space<vmem>>, vector<16xf32>,
      %get3A_605 = arith.index_cast %add3A_583 : i32 to index
      %get3A_606 = arith.constant 32 : index
      %get3A_607 = tpu.vector_load %arg10[%get3A_605, %get3A_606] {strides = array<i32>} : memref<512x64xf32, #tpu.memory_space<vmem>>, vector<16xf32>,
      %mul3A_608 = arith.mulf %get3A_604, %get3A_607 : vector<16xf32>
      %add3A_609 = arith.addf %add3A_601, %mul3A_608 : vector<16xf32>
      %get3A_610 = arith.index_cast %add3A_583 : i32 to index
      %get3A_611 = arith.constant 48 : index
      %get3A_612 = tpu.vector_load %arg9[%get3A_610, %get3A_611] {strides = array<i32>} : memref<512x64xf32, #tpu.memory_space<vmem>>, vector<16xf32>,
      %get3A_613 = arith.index_cast %add3A_583 : i32 to index
      %get3A_614 = arith.constant 48 : index
      %get3A_615 = tpu.vector_load %arg10[%get3A_613, %get3A_614] {strides = array<i32>} : memref<512x64xf32, #tpu.memory_space<vmem>>, vector<16xf32>,
      %mul3A_616 = arith.mulf %get3A_612, %get3A_615 : vector<16xf32>
      %add3A_617 = arith.addf %add3A_609, %mul3A_616 : vector<16xf32>
      %reduce_sum3A_618 = arith.constant true
      %reduce_sum3A_619 = vector.broadcast %reduce_sum3A_618 : i1 to vector<16xi1>
      %reduce_sum3A_620 = tpu.scan <sum>, %add3A_617 masked %reduce_sum3A_619 : vector<16xf32>, vector<16xi1> -> vector<16xf32>
      %reduce_sum3A_621 = vector.extract %reduce_sum3A_620[15] : f32 from vector<16xf32>
      %eq3A_622 = arith.constant 5 : i32
      %eq3A_623 = vector.broadcast %eq3A_622 : i32 to vector<16xi32>
      %eq3A_624 = arith.cmpi eq, %iota3A, %eq3A_623 : vector<16xi32>
      %broadcast_in_dim3A_625 = vector.broadcast %reduce_sum3A_621 : f32 to vector<16xf32>
      %select_n3A_626 = arith.select %eq3A_624, %broadcast_in_dim3A_625, %select_n3A_579 : vector<16xi1>, vector<16xf32>
      %mul3A_627 = arith.constant 16 : i32
      %mul3A_628 = arith.muli %scan3A_345, %mul3A_627 : i32
      %add3A_629 = arith.constant 6 : i32
      %add3A_630 = arith.addi %mul3A_628, %add3A_629 : i32
      %broadcast_in_dim3A_631 = arith.constant 0.000000e+00 : f32
      %broadcast_in_dim3A_632 = vector.broadcast %broadcast_in_dim3A_631 : f32 to vector<16xf32>
      %get3A_633 = arith.index_cast %add3A_630 : i32 to index
      %get3A_634 = arith.constant 0 : index
      %get3A_635 = tpu.vector_load %arg9[%get3A_633, %get3A_634] {strides = array<i32>} : memref<512x64xf32, #tpu.memory_space<vmem>>, vector<16xf32>,
      %get3A_636 = arith.index_cast %add3A_630 : i32 to index
      %get3A_637 = arith.constant 0 : index
      %get3A_638 = tpu.vector_load %arg10[%get3A_636, %get3A_637] {strides = array<i32>} : memref<512x64xf32, #tpu.memory_space<vmem>>, vector<16xf32>,
      %mul3A_639 = arith.mulf %get3A_635, %get3A_638 : vector<16xf32>
      %add3A_640 = arith.addf %broadcast_in_dim3A_632, %mul3A_639 : vector<16xf32>
      %get3A_641 = arith.index_cast %add3A_630 : i32 to index
      %get3A_642 = arith.constant 16 : index
      %get3A_643 = tpu.vector_load %arg9[%get3A_641, %get3A_642] {strides = array<i32>} : memref<512x64xf32, #tpu.memory_space<vmem>>, vector<16xf32>,
      %get3A_644 = arith.index_cast %add3A_630 : i32 to index
      %get3A_645 = arith.constant 16 : index
      %get3A_646 = tpu.vector_load %arg10[%get3A_644, %get3A_645] {strides = array<i32>} : memref<512x64xf32, #tpu.memory_space<vmem>>, vector<16xf32>,
      %mul3A_647 = arith.mulf %get3A_643, %get3A_646 : vector<16xf32>
      %add3A_648 = arith.addf %add3A_640, %mul3A_647 : vector<16xf32>
      %get3A_649 = arith.index_cast %add3A_630 : i32 to index
      %get3A_650 = arith.constant 32 : index
      %get3A_651 = tpu.vector_load %arg9[%get3A_649, %get3A_650] {strides = array<i32>} : memref<512x64xf32, #tpu.memory_space<vmem>>, vector<16xf32>,
      %get3A_652 = arith.index_cast %add3A_630 : i32 to index
      %get3A_653 = arith.constant 32 : index
      %get3A_654 = tpu.vector_load %arg10[%get3A_652, %get3A_653] {strides = array<i32>} : memref<512x64xf32, #tpu.memory_space<vmem>>, vector<16xf32>,
      %mul3A_655 = arith.mulf %get3A_651, %get3A_654 : vector<16xf32>
      %add3A_656 = arith.addf %add3A_648, %mul3A_655 : vector<16xf32>
      %get3A_657 = arith.index_cast %add3A_630 : i32 to index
      %get3A_658 = arith.constant 48 : index
      %get3A_659 = tpu.vector_load %arg9[%get3A_657, %get3A_658] {strides = array<i32>} : memref<512x64xf32, #tpu.memory_space<vmem>>, vector<16xf32>,
      %get3A_660 = arith.index_cast %add3A_630 : i32 to index
      %get3A_661 = arith.constant 48 : index
      %get3A_662 = tpu.vector_load %arg10[%get3A_660, %get3A_661] {strides = array<i32>} : memref<512x64xf32, #tpu.memory_space<vmem>>, vector<16xf32>,
      %mul3A_663 = arith.mulf %get3A_659, %get3A_662 : vector<16xf32>
      %add3A_664 = arith.addf %add3A_656, %mul3A_663 : vector<16xf32>
      %reduce_sum3A_665 = arith.constant true
      %reduce_sum3A_666 = vector.broadcast %reduce_sum3A_665 : i1 to vector<16xi1>
      %reduce_sum3A_667 = tpu.scan <sum>, %add3A_664 masked %reduce_sum3A_666 : vector<16xf32>, vector<16xi1> -> vector<16xf32>
      %reduce_sum3A_668 = vector.extract %reduce_sum3A_667[15] : f32 from vector<16xf32>
      %eq3A_669 = arith.constant 6 : i32
      %eq3A_670 = vector.broadcast %eq3A_669 : i32 to vector<16xi32>
      %eq3A_671 = arith.cmpi eq, %iota3A, %eq3A_670 : vector<16xi32>
      %broadcast_in_dim3A_672 = vector.broadcast %reduce_sum3A_668 : f32 to vector<16xf32>
      %select_n3A_673 = arith.select %eq3A_671, %broadcast_in_dim3A_672, %select_n3A_626 : vector<16xi1>, vector<16xf32>
      %mul3A_674 = arith.constant 16 : i32
      %mul3A_675 = arith.muli %scan3A_345, %mul3A_674 : i32
      %add3A_676 = arith.constant 7 : i32
      %add3A_677 = arith.addi %mul3A_675, %add3A_676 : i32
      %broadcast_in_dim3A_678 = arith.constant 0.000000e+00 : f32
      %broadcast_in_dim3A_679 = vector.broadcast %broadcast_in_dim3A_678 : f32 to vector<16xf32>
      %get3A_680 = arith.index_cast %add3A_677 : i32 to index
      %get3A_681 = arith.constant 0 : index
      %get3A_682 = tpu.vector_load %arg9[%get3A_680, %get3A_681] {strides = array<i32>} : memref<512x64xf32, #tpu.memory_space<vmem>>, vector<16xf32>,
      %get3A_683 = arith.index_cast %add3A_677 : i32 to index
      %get3A_684 = arith.constant 0 : index
      %get3A_685 = tpu.vector_load %arg10[%get3A_683, %get3A_684] {strides = array<i32>} : memref<512x64xf32, #tpu.memory_space<vmem>>, vector<16xf32>,
      %mul3A_686 = arith.mulf %get3A_682, %get3A_685 : vector<16xf32>
      %add3A_687 = arith.addf %broadcast_in_dim3A_679, %mul3A_686 : vector<16xf32>
      %get3A_688 = arith.index_cast %add3A_677 : i32 to index
      %get3A_689 = arith.constant 16 : index
      %get3A_690 = tpu.vector_load %arg9[%get3A_688, %get3A_689] {strides = array<i32>} : memref<512x64xf32, #tpu.memory_space<vmem>>, vector<16xf32>,
      %get3A_691 = arith.index_cast %add3A_677 : i32 to index
      %get3A_692 = arith.constant 16 : index
      %get3A_693 = tpu.vector_load %arg10[%get3A_691, %get3A_692] {strides = array<i32>} : memref<512x64xf32, #tpu.memory_space<vmem>>, vector<16xf32>,
      %mul3A_694 = arith.mulf %get3A_690, %get3A_693 : vector<16xf32>
      %add3A_695 = arith.addf %add3A_687, %mul3A_694 : vector<16xf32>
      %get3A_696 = arith.index_cast %add3A_677 : i32 to index
      %get3A_697 = arith.constant 32 : index
      %get3A_698 = tpu.vector_load %arg9[%get3A_696, %get3A_697] {strides = array<i32>} : memref<512x64xf32, #tpu.memory_space<vmem>>, vector<16xf32>,
      %get3A_699 = arith.index_cast %add3A_677 : i32 to index
      %get3A_700 = arith.constant 32 : index
      %get3A_701 = tpu.vector_load %arg10[%get3A_699, %get3A_700] {strides = array<i32>} : memref<512x64xf32, #tpu.memory_space<vmem>>, vector<16xf32>,
      %mul3A_702 = arith.mulf %get3A_698, %get3A_701 : vector<16xf32>
      %add3A_703 = arith.addf %add3A_695, %mul3A_702 : vector<16xf32>
      %get3A_704 = arith.index_cast %add3A_677 : i32 to index
      %get3A_705 = arith.constant 48 : index
      %get3A_706 = tpu.vector_load %arg9[%get3A_704, %get3A_705] {strides = array<i32>} : memref<512x64xf32, #tpu.memory_space<vmem>>, vector<16xf32>,
      %get3A_707 = arith.index_cast %add3A_677 : i32 to index
      %get3A_708 = arith.constant 48 : index
      %get3A_709 = tpu.vector_load %arg10[%get3A_707, %get3A_708] {strides = array<i32>} : memref<512x64xf32, #tpu.memory_space<vmem>>, vector<16xf32>,
      %mul3A_710 = arith.mulf %get3A_706, %get3A_709 : vector<16xf32>
      %add3A_711 = arith.addf %add3A_703, %mul3A_710 : vector<16xf32>
      %reduce_sum3A_712 = arith.constant true
      %reduce_sum3A_713 = vector.broadcast %reduce_sum3A_712 : i1 to vector<16xi1>
      %reduce_sum3A_714 = tpu.scan <sum>, %add3A_711 masked %reduce_sum3A_713 : vector<16xf32>, vector<16xi1> -> vector<16xf32>
      %reduce_sum3A_715 = vector.extract %reduce_sum3A_714[15] : f32 from vector<16xf32>
      %eq3A_716 = arith.constant 7 : i32
      %eq3A_717 = vector.broadcast %eq3A_716 : i32 to vector<16xi32>
      %eq3A_718 = arith.cmpi eq, %iota3A, %eq3A_717 : vector<16xi32>
      %broadcast_in_dim3A_719 = vector.broadcast %reduce_sum3A_715 : f32 to vector<16xf32>
      %select_n3A_720 = arith.select %eq3A_718, %broadcast_in_dim3A_719, %select_n3A_673 : vector<16xi1>, vector<16xf32>
      %mul3A_721 = arith.constant 16 : i32
      %mul3A_722 = arith.muli %scan3A_345, %mul3A_721 : i32
      %add3A_723 = arith.constant 8 : i32
      %add3A_724 = arith.addi %mul3A_722, %add3A_723 : i32
      %broadcast_in_dim3A_725 = arith.constant 0.000000e+00 : f32
      %broadcast_in_dim3A_726 = vector.broadcast %broadcast_in_dim3A_725 : f32 to vector<16xf32>
      %get3A_727 = arith.index_cast %add3A_724 : i32 to index
      %get3A_728 = arith.constant 0 : index
      %get3A_729 = tpu.vector_load %arg9[%get3A_727, %get3A_728] {strides = array<i32>} : memref<512x64xf32, #tpu.memory_space<vmem>>, vector<16xf32>,
      %get3A_730 = arith.index_cast %add3A_724 : i32 to index
      %get3A_731 = arith.constant 0 : index
      %get3A_732 = tpu.vector_load %arg10[%get3A_730, %get3A_731] {strides = array<i32>} : memref<512x64xf32, #tpu.memory_space<vmem>>, vector<16xf32>,
      %mul3A_733 = arith.mulf %get3A_729, %get3A_732 : vector<16xf32>
      %add3A_734 = arith.addf %broadcast_in_dim3A_726, %mul3A_733 : vector<16xf32>
      %get3A_735 = arith.index_cast %add3A_724 : i32 to index
      %get3A_736 = arith.constant 16 : index
      %get3A_737 = tpu.vector_load %arg9[%get3A_735, %get3A_736] {strides = array<i32>} : memref<512x64xf32, #tpu.memory_space<vmem>>, vector<16xf32>,
      %get3A_738 = arith.index_cast %add3A_724 : i32 to index
      %get3A_739 = arith.constant 16 : index
      %get3A_740 = tpu.vector_load %arg10[%get3A_738, %get3A_739] {strides = array<i32>} : memref<512x64xf32, #tpu.memory_space<vmem>>, vector<16xf32>,
      %mul3A_741 = arith.mulf %get3A_737, %get3A_740 : vector<16xf32>
      %add3A_742 = arith.addf %add3A_734, %mul3A_741 : vector<16xf32>
      %get3A_743 = arith.index_cast %add3A_724 : i32 to index
      %get3A_744 = arith.constant 32 : index
      %get3A_745 = tpu.vector_load %arg9[%get3A_743, %get3A_744] {strides = array<i32>} : memref<512x64xf32, #tpu.memory_space<vmem>>, vector<16xf32>,
      %get3A_746 = arith.index_cast %add3A_724 : i32 to index
      %get3A_747 = arith.constant 32 : index
      %get3A_748 = tpu.vector_load %arg10[%get3A_746, %get3A_747] {strides = array<i32>} : memref<512x64xf32, #tpu.memory_space<vmem>>, vector<16xf32>,
      %mul3A_749 = arith.mulf %get3A_745, %get3A_748 : vector<16xf32>
      %add3A_750 = arith.addf %add3A_742, %mul3A_749 : vector<16xf32>
      %get3A_751 = arith.index_cast %add3A_724 : i32 to index
      %get3A_752 = arith.constant 48 : index
      %get3A_753 = tpu.vector_load %arg9[%get3A_751, %get3A_752] {strides = array<i32>} : memref<512x64xf32, #tpu.memory_space<vmem>>, vector<16xf32>,
      %get3A_754 = arith.index_cast %add3A_724 : i32 to index
      %get3A_755 = arith.constant 48 : index
      %get3A_756 = tpu.vector_load %arg10[%get3A_754, %get3A_755] {strides = array<i32>} : memref<512x64xf32, #tpu.memory_space<vmem>>, vector<16xf32>,
      %mul3A_757 = arith.mulf %get3A_753, %get3A_756 : vector<16xf32>
      %add3A_758 = arith.addf %add3A_750, %mul3A_757 : vector<16xf32>
      %reduce_sum3A_759 = arith.constant true
      %reduce_sum3A_760 = vector.broadcast %reduce_sum3A_759 : i1 to vector<16xi1>
      %reduce_sum3A_761 = tpu.scan <sum>, %add3A_758 masked %reduce_sum3A_760 : vector<16xf32>, vector<16xi1> -> vector<16xf32>
      %reduce_sum3A_762 = vector.extract %reduce_sum3A_761[15] : f32 from vector<16xf32>
      %eq3A_763 = arith.constant 8 : i32
      %eq3A_764 = vector.broadcast %eq3A_763 : i32 to vector<16xi32>
      %eq3A_765 = arith.cmpi eq, %iota3A, %eq3A_764 : vector<16xi32>
      %broadcast_in_dim3A_766 = vector.broadcast %reduce_sum3A_762 : f32 to vector<16xf32>
      %select_n3A_767 = arith.select %eq3A_765, %broadcast_in_dim3A_766, %select_n3A_720 : vector<16xi1>, vector<16xf32>
      %mul3A_768 = arith.constant 16 : i32
      %mul3A_769 = arith.muli %scan3A_345, %mul3A_768 : i32
      %add3A_770 = arith.constant 9 : i32
      %add3A_771 = arith.addi %mul3A_769, %add3A_770 : i32
      %broadcast_in_dim3A_772 = arith.constant 0.000000e+00 : f32
      %broadcast_in_dim3A_773 = vector.broadcast %broadcast_in_dim3A_772 : f32 to vector<16xf32>
      %get3A_774 = arith.index_cast %add3A_771 : i32 to index
      %get3A_775 = arith.constant 0 : index
      %get3A_776 = tpu.vector_load %arg9[%get3A_774, %get3A_775] {strides = array<i32>} : memref<512x64xf32, #tpu.memory_space<vmem>>, vector<16xf32>,
      %get3A_777 = arith.index_cast %add3A_771 : i32 to index
      %get3A_778 = arith.constant 0 : index
      %get3A_779 = tpu.vector_load %arg10[%get3A_777, %get3A_778] {strides = array<i32>} : memref<512x64xf32, #tpu.memory_space<vmem>>, vector<16xf32>,
      %mul3A_780 = arith.mulf %get3A_776, %get3A_779 : vector<16xf32>
      %add3A_781 = arith.addf %broadcast_in_dim3A_773, %mul3A_780 : vector<16xf32>
      %get3A_782 = arith.index_cast %add3A_771 : i32 to index
      %get3A_783 = arith.constant 16 : index
      %get3A_784 = tpu.vector_load %arg9[%get3A_782, %get3A_783] {strides = array<i32>} : memref<512x64xf32, #tpu.memory_space<vmem>>, vector<16xf32>,
      %get3A_785 = arith.index_cast %add3A_771 : i32 to index
      %get3A_786 = arith.constant 16 : index
      %get3A_787 = tpu.vector_load %arg10[%get3A_785, %get3A_786] {strides = array<i32>} : memref<512x64xf32, #tpu.memory_space<vmem>>, vector<16xf32>,
      %mul3A_788 = arith.mulf %get3A_784, %get3A_787 : vector<16xf32>
      %add3A_789 = arith.addf %add3A_781, %mul3A_788 : vector<16xf32>
      %get3A_790 = arith.index_cast %add3A_771 : i32 to index
      %get3A_791 = arith.constant 32 : index
      %get3A_792 = tpu.vector_load %arg9[%get3A_790, %get3A_791] {strides = array<i32>} : memref<512x64xf32, #tpu.memory_space<vmem>>, vector<16xf32>,
      %get3A_793 = arith.index_cast %add3A_771 : i32 to index
      %get3A_794 = arith.constant 32 : index
      %get3A_795 = tpu.vector_load %arg10[%get3A_793, %get3A_794] {strides = array<i32>} : memref<512x64xf32, #tpu.memory_space<vmem>>, vector<16xf32>,
      %mul3A_796 = arith.mulf %get3A_792, %get3A_795 : vector<16xf32>
      %add3A_797 = arith.addf %add3A_789, %mul3A_796 : vector<16xf32>
      %get3A_798 = arith.index_cast %add3A_771 : i32 to index
      %get3A_799 = arith.constant 48 : index
      %get3A_800 = tpu.vector_load %arg9[%get3A_798, %get3A_799] {strides = array<i32>} : memref<512x64xf32, #tpu.memory_space<vmem>>, vector<16xf32>,
      %get3A_801 = arith.index_cast %add3A_771 : i32 to index
      %get3A_802 = arith.constant 48 : index
      %get3A_803 = tpu.vector_load %arg10[%get3A_801, %get3A_802] {strides = array<i32>} : memref<512x64xf32, #tpu.memory_space<vmem>>, vector<16xf32>,
      %mul3A_804 = arith.mulf %get3A_800, %get3A_803 : vector<16xf32>
      %add3A_805 = arith.addf %add3A_797, %mul3A_804 : vector<16xf32>
      %reduce_sum3A_806 = arith.constant true
      %reduce_sum3A_807 = vector.broadcast %reduce_sum3A_806 : i1 to vector<16xi1>
      %reduce_sum3A_808 = tpu.scan <sum>, %add3A_805 masked %reduce_sum3A_807 : vector<16xf32>, vector<16xi1> -> vector<16xf32>
      %reduce_sum3A_809 = vector.extract %reduce_sum3A_808[15] : f32 from vector<16xf32>
      %eq3A_810 = arith.constant 9 : i32
      %eq3A_811 = vector.broadcast %eq3A_810 : i32 to vector<16xi32>
      %eq3A_812 = arith.cmpi eq, %iota3A, %eq3A_811 : vector<16xi32>
      %broadcast_in_dim3A_813 = vector.broadcast %reduce_sum3A_809 : f32 to vector<16xf32>
      %select_n3A_814 = arith.select %eq3A_812, %broadcast_in_dim3A_813, %select_n3A_767 : vector<16xi1>, vector<16xf32>
      %mul3A_815 = arith.constant 16 : i32
      %mul3A_816 = arith.muli %scan3A_345, %mul3A_815 : i32
      %add3A_817 = arith.constant 10 : i32
      %add3A_818 = arith.addi %mul3A_816, %add3A_817 : i32
      %broadcast_in_dim3A_819 = arith.constant 0.000000e+00 : f32
      %broadcast_in_dim3A_820 = vector.broadcast %broadcast_in_dim3A_819 : f32 to vector<16xf32>
      %get3A_821 = arith.index_cast %add3A_818 : i32 to index
      %get3A_822 = arith.constant 0 : index
      %get3A_823 = tpu.vector_load %arg9[%get3A_821, %get3A_822] {strides = array<i32>} : memref<512x64xf32, #tpu.memory_space<vmem>>, vector<16xf32>,
      %get3A_824 = arith.index_cast %add3A_818 : i32 to index
      %get3A_825 = arith.constant 0 : index
      %get3A_826 = tpu.vector_load %arg10[%get3A_824, %get3A_825] {strides = array<i32>} : memref<512x64xf32, #tpu.memory_space<vmem>>, vector<16xf32>,
      %mul3A_827 = arith.mulf %get3A_823, %get3A_826 : vector<16xf32>
      %add3A_828 = arith.addf %broadcast_in_dim3A_820, %mul3A_827 : vector<16xf32>
      %get3A_829 = arith.index_cast %add3A_818 : i32 to index
      %get3A_830 = arith.constant 16 : index
      %get3A_831 = tpu.vector_load %arg9[%get3A_829, %get3A_830] {strides = array<i32>} : memref<512x64xf32, #tpu.memory_space<vmem>>, vector<16xf32>,
      %get3A_832 = arith.index_cast %add3A_818 : i32 to index
      %get3A_833 = arith.constant 16 : index
      %get3A_834 = tpu.vector_load %arg10[%get3A_832, %get3A_833] {strides = array<i32>} : memref<512x64xf32, #tpu.memory_space<vmem>>, vector<16xf32>,
      %mul3A_835 = arith.mulf %get3A_831, %get3A_834 : vector<16xf32>
      %add3A_836 = arith.addf %add3A_828, %mul3A_835 : vector<16xf32>
      %get3A_837 = arith.index_cast %add3A_818 : i32 to index
      %get3A_838 = arith.constant 32 : index
      %get3A_839 = tpu.vector_load %arg9[%get3A_837, %get3A_838] {strides = array<i32>} : memref<512x64xf32, #tpu.memory_space<vmem>>, vector<16xf32>,
      %get3A_840 = arith.index_cast %add3A_818 : i32 to index
      %get3A_841 = arith.constant 32 : index
      %get3A_842 = tpu.vector_load %arg10[%get3A_840, %get3A_841] {strides = array<i32>} : memref<512x64xf32, #tpu.memory_space<vmem>>, vector<16xf32>,
      %mul3A_843 = arith.mulf %get3A_839, %get3A_842 : vector<16xf32>
      %add3A_844 = arith.addf %add3A_836, %mul3A_843 : vector<16xf32>
      %get3A_845 = arith.index_cast %add3A_818 : i32 to index
      %get3A_846 = arith.constant 48 : index
      %get3A_847 = tpu.vector_load %arg9[%get3A_845, %get3A_846] {strides = array<i32>} : memref<512x64xf32, #tpu.memory_space<vmem>>, vector<16xf32>,
      %get3A_848 = arith.index_cast %add3A_818 : i32 to index
      %get3A_849 = arith.constant 48 : index
      %get3A_850 = tpu.vector_load %arg10[%get3A_848, %get3A_849] {strides = array<i32>} : memref<512x64xf32, #tpu.memory_space<vmem>>, vector<16xf32>,
      %mul3A_851 = arith.mulf %get3A_847, %get3A_850 : vector<16xf32>
      %add3A_852 = arith.addf %add3A_844, %mul3A_851 : vector<16xf32>
      %reduce_sum3A_853 = arith.constant true
      %reduce_sum3A_854 = vector.broadcast %reduce_sum3A_853 : i1 to vector<16xi1>
      %reduce_sum3A_855 = tpu.scan <sum>, %add3A_852 masked %reduce_sum3A_854 : vector<16xf32>, vector<16xi1> -> vector<16xf32>
      %reduce_sum3A_856 = vector.extract %reduce_sum3A_855[15] : f32 from vector<16xf32>
      %eq3A_857 = arith.constant 10 : i32
      %eq3A_858 = vector.broadcast %eq3A_857 : i32 to vector<16xi32>
      %eq3A_859 = arith.cmpi eq, %iota3A, %eq3A_858 : vector<16xi32>
      %broadcast_in_dim3A_860 = vector.broadcast %reduce_sum3A_856 : f32 to vector<16xf32>
      %select_n3A_861 = arith.select %eq3A_859, %broadcast_in_dim3A_860, %select_n3A_814 : vector<16xi1>, vector<16xf32>
      %mul3A_862 = arith.constant 16 : i32
      %mul3A_863 = arith.muli %scan3A_345, %mul3A_862 : i32
      %add3A_864 = arith.constant 11 : i32
      %add3A_865 = arith.addi %mul3A_863, %add3A_864 : i32
      %broadcast_in_dim3A_866 = arith.constant 0.000000e+00 : f32
      %broadcast_in_dim3A_867 = vector.broadcast %broadcast_in_dim3A_866 : f32 to vector<16xf32>
      %get3A_868 = arith.index_cast %add3A_865 : i32 to index
      %get3A_869 = arith.constant 0 : index
      %get3A_870 = tpu.vector_load %arg9[%get3A_868, %get3A_869] {strides = array<i32>} : memref<512x64xf32, #tpu.memory_space<vmem>>, vector<16xf32>,
      %get3A_871 = arith.index_cast %add3A_865 : i32 to index
      %get3A_872 = arith.constant 0 : index
      %get3A_873 = tpu.vector_load %arg10[%get3A_871, %get3A_872] {strides = array<i32>} : memref<512x64xf32, #tpu.memory_space<vmem>>, vector<16xf32>,
      %mul3A_874 = arith.mulf %get3A_870, %get3A_873 : vector<16xf32>
      %add3A_875 = arith.addf %broadcast_in_dim3A_867, %mul3A_874 : vector<16xf32>
      %get3A_876 = arith.index_cast %add3A_865 : i32 to index
      %get3A_877 = arith.constant 16 : index
      %get3A_878 = tpu.vector_load %arg9[%get3A_876, %get3A_877] {strides = array<i32>} : memref<512x64xf32, #tpu.memory_space<vmem>>, vector<16xf32>,
      %get3A_879 = arith.index_cast %add3A_865 : i32 to index
      %get3A_880 = arith.constant 16 : index
      %get3A_881 = tpu.vector_load %arg10[%get3A_879, %get3A_880] {strides = array<i32>} : memref<512x64xf32, #tpu.memory_space<vmem>>, vector<16xf32>,
      %mul3A_882 = arith.mulf %get3A_878, %get3A_881 : vector<16xf32>
      %add3A_883 = arith.addf %add3A_875, %mul3A_882 : vector<16xf32>
      %get3A_884 = arith.index_cast %add3A_865 : i32 to index
      %get3A_885 = arith.constant 32 : index
      %get3A_886 = tpu.vector_load %arg9[%get3A_884, %get3A_885] {strides = array<i32>} : memref<512x64xf32, #tpu.memory_space<vmem>>, vector<16xf32>,
      %get3A_887 = arith.index_cast %add3A_865 : i32 to index
      %get3A_888 = arith.constant 32 : index
      %get3A_889 = tpu.vector_load %arg10[%get3A_887, %get3A_888] {strides = array<i32>} : memref<512x64xf32, #tpu.memory_space<vmem>>, vector<16xf32>,
      %mul3A_890 = arith.mulf %get3A_886, %get3A_889 : vector<16xf32>
      %add3A_891 = arith.addf %add3A_883, %mul3A_890 : vector<16xf32>
      %get3A_892 = arith.index_cast %add3A_865 : i32 to index
      %get3A_893 = arith.constant 48 : index
      %get3A_894 = tpu.vector_load %arg9[%get3A_892, %get3A_893] {strides = array<i32>} : memref<512x64xf32, #tpu.memory_space<vmem>>, vector<16xf32>,
      %get3A_895 = arith.index_cast %add3A_865 : i32 to index
      %get3A_896 = arith.constant 48 : index
      %get3A_897 = tpu.vector_load %arg10[%get3A_895, %get3A_896] {strides = array<i32>} : memref<512x64xf32, #tpu.memory_space<vmem>>, vector<16xf32>,
      %mul3A_898 = arith.mulf %get3A_894, %get3A_897 : vector<16xf32>
      %add3A_899 = arith.addf %add3A_891, %mul3A_898 : vector<16xf32>
      %reduce_sum3A_900 = arith.constant true
      %reduce_sum3A_901 = vector.broadcast %reduce_sum3A_900 : i1 to vector<16xi1>
      %reduce_sum3A_902 = tpu.scan <sum>, %add3A_899 masked %reduce_sum3A_901 : vector<16xf32>, vector<16xi1> -> vector<16xf32>
      %reduce_sum3A_903 = vector.extract %reduce_sum3A_902[15] : f32 from vector<16xf32>
      %eq3A_904 = arith.constant 11 : i32
      %eq3A_905 = vector.broadcast %eq3A_904 : i32 to vector<16xi32>
      %eq3A_906 = arith.cmpi eq, %iota3A, %eq3A_905 : vector<16xi32>
      %broadcast_in_dim3A_907 = vector.broadcast %reduce_sum3A_903 : f32 to vector<16xf32>
      %select_n3A_908 = arith.select %eq3A_906, %broadcast_in_dim3A_907, %select_n3A_861 : vector<16xi1>, vector<16xf32>
      %mul3A_909 = arith.constant 16 : i32
      %mul3A_910 = arith.muli %scan3A_345, %mul3A_909 : i32
      %add3A_911 = arith.constant 12 : i32
      %add3A_912 = arith.addi %mul3A_910, %add3A_911 : i32
      %broadcast_in_dim3A_913 = arith.constant 0.000000e+00 : f32
      %broadcast_in_dim3A_914 = vector.broadcast %broadcast_in_dim3A_913 : f32 to vector<16xf32>
      %get3A_915 = arith.index_cast %add3A_912 : i32 to index
      %get3A_916 = arith.constant 0 : index
      %get3A_917 = tpu.vector_load %arg9[%get3A_915, %get3A_916] {strides = array<i32>} : memref<512x64xf32, #tpu.memory_space<vmem>>, vector<16xf32>,
      %get3A_918 = arith.index_cast %add3A_912 : i32 to index
      %get3A_919 = arith.constant 0 : index
      %get3A_920 = tpu.vector_load %arg10[%get3A_918, %get3A_919] {strides = array<i32>} : memref<512x64xf32, #tpu.memory_space<vmem>>, vector<16xf32>,
      %mul3A_921 = arith.mulf %get3A_917, %get3A_920 : vector<16xf32>
      %add3A_922 = arith.addf %broadcast_in_dim3A_914, %mul3A_921 : vector<16xf32>
      %get3A_923 = arith.index_cast %add3A_912 : i32 to index
      %get3A_924 = arith.constant 16 : index
      %get3A_925 = tpu.vector_load %arg9[%get3A_923, %get3A_924] {strides = array<i32>} : memref<512x64xf32, #tpu.memory_space<vmem>>, vector<16xf32>,
      %get3A_926 = arith.index_cast %add3A_912 : i32 to index
      %get3A_927 = arith.constant 16 : index
      %get3A_928 = tpu.vector_load %arg10[%get3A_926, %get3A_927] {strides = array<i32>} : memref<512x64xf32, #tpu.memory_space<vmem>>, vector<16xf32>,
      %mul3A_929 = arith.mulf %get3A_925, %get3A_928 : vector<16xf32>
      %add3A_930 = arith.addf %add3A_922, %mul3A_929 : vector<16xf32>
      %get3A_931 = arith.index_cast %add3A_912 : i32 to index
      %get3A_932 = arith.constant 32 : index
      %get3A_933 = tpu.vector_load %arg9[%get3A_931, %get3A_932] {strides = array<i32>} : memref<512x64xf32, #tpu.memory_space<vmem>>, vector<16xf32>,
      %get3A_934 = arith.index_cast %add3A_912 : i32 to index
      %get3A_935 = arith.constant 32 : index
      %get3A_936 = tpu.vector_load %arg10[%get3A_934, %get3A_935] {strides = array<i32>} : memref<512x64xf32, #tpu.memory_space<vmem>>, vector<16xf32>,
      %mul3A_937 = arith.mulf %get3A_933, %get3A_936 : vector<16xf32>
      %add3A_938 = arith.addf %add3A_930, %mul3A_937 : vector<16xf32>
      %get3A_939 = arith.index_cast %add3A_912 : i32 to index
      %get3A_940 = arith.constant 48 : index
      %get3A_941 = tpu.vector_load %arg9[%get3A_939, %get3A_940] {strides = array<i32>} : memref<512x64xf32, #tpu.memory_space<vmem>>, vector<16xf32>,
      %get3A_942 = arith.index_cast %add3A_912 : i32 to index
      %get3A_943 = arith.constant 48 : index
      %get3A_944 = tpu.vector_load %arg10[%get3A_942, %get3A_943] {strides = array<i32>} : memref<512x64xf32, #tpu.memory_space<vmem>>, vector<16xf32>,
      %mul3A_945 = arith.mulf %get3A_941, %get3A_944 : vector<16xf32>
      %add3A_946 = arith.addf %add3A_938, %mul3A_945 : vector<16xf32>
      %reduce_sum3A_947 = arith.constant true
      %reduce_sum3A_948 = vector.broadcast %reduce_sum3A_947 : i1 to vector<16xi1>
      %reduce_sum3A_949 = tpu.scan <sum>, %add3A_946 masked %reduce_sum3A_948 : vector<16xf32>, vector<16xi1> -> vector<16xf32>
      %reduce_sum3A_950 = vector.extract %reduce_sum3A_949[15] : f32 from vector<16xf32>
      %eq3A_951 = arith.constant 12 : i32
      %eq3A_952 = vector.broadcast %eq3A_951 : i32 to vector<16xi32>
      %eq3A_953 = arith.cmpi eq, %iota3A, %eq3A_952 : vector<16xi32>
      %broadcast_in_dim3A_954 = vector.broadcast %reduce_sum3A_950 : f32 to vector<16xf32>
      %select_n3A_955 = arith.select %eq3A_953, %broadcast_in_dim3A_954, %select_n3A_908 : vector<16xi1>, vector<16xf32>
      %mul3A_956 = arith.constant 16 : i32
      %mul3A_957 = arith.muli %scan3A_345, %mul3A_956 : i32
      %add3A_958 = arith.constant 13 : i32
      %add3A_959 = arith.addi %mul3A_957, %add3A_958 : i32
      %broadcast_in_dim3A_960 = arith.constant 0.000000e+00 : f32
      %broadcast_in_dim3A_961 = vector.broadcast %broadcast_in_dim3A_960 : f32 to vector<16xf32>
      %get3A_962 = arith.index_cast %add3A_959 : i32 to index
      %get3A_963 = arith.constant 0 : index
      %get3A_964 = tpu.vector_load %arg9[%get3A_962, %get3A_963] {strides = array<i32>} : memref<512x64xf32, #tpu.memory_space<vmem>>, vector<16xf32>,
      %get3A_965 = arith.index_cast %add3A_959 : i32 to index
      %get3A_966 = arith.constant 0 : index
      %get3A_967 = tpu.vector_load %arg10[%get3A_965, %get3A_966] {strides = array<i32>} : memref<512x64xf32, #tpu.memory_space<vmem>>, vector<16xf32>,
      %mul3A_968 = arith.mulf %get3A_964, %get3A_967 : vector<16xf32>
      %add3A_969 = arith.addf %broadcast_in_dim3A_961, %mul3A_968 : vector<16xf32>
      %get3A_970 = arith.index_cast %add3A_959 : i32 to index
      %get3A_971 = arith.constant 16 : index
      %get3A_972 = tpu.vector_load %arg9[%get3A_970, %get3A_971] {strides = array<i32>} : memref<512x64xf32, #tpu.memory_space<vmem>>, vector<16xf32>,
      %get3A_973 = arith.index_cast %add3A_959 : i32 to index
      %get3A_974 = arith.constant 16 : index
      %get3A_975 = tpu.vector_load %arg10[%get3A_973, %get3A_974] {strides = array<i32>} : memref<512x64xf32, #tpu.memory_space<vmem>>, vector<16xf32>,
      %mul3A_976 = arith.mulf %get3A_972, %get3A_975 : vector<16xf32>
      %add3A_977 = arith.addf %add3A_969, %mul3A_976 : vector<16xf32>
      %get3A_978 = arith.index_cast %add3A_959 : i32 to index
      %get3A_979 = arith.constant 32 : index
      %get3A_980 = tpu.vector_load %arg9[%get3A_978, %get3A_979] {strides = array<i32>} : memref<512x64xf32, #tpu.memory_space<vmem>>, vector<16xf32>,
      %get3A_981 = arith.index_cast %add3A_959 : i32 to index
      %get3A_982 = arith.constant 32 : index
      %get3A_983 = tpu.vector_load %arg10[%get3A_981, %get3A_982] {strides = array<i32>} : memref<512x64xf32, #tpu.memory_space<vmem>>, vector<16xf32>,
      %mul3A_984 = arith.mulf %get3A_980, %get3A_983 : vector<16xf32>
      %add3A_985 = arith.addf %add3A_977, %mul3A_984 : vector<16xf32>
      %get3A_986 = arith.index_cast %add3A_959 : i32 to index
      %get3A_987 = arith.constant 48 : index
      %get3A_988 = tpu.vector_load %arg9[%get3A_986, %get3A_987] {strides = array<i32>} : memref<512x64xf32, #tpu.memory_space<vmem>>, vector<16xf32>,
      %get3A_989 = arith.index_cast %add3A_959 : i32 to index
      %get3A_990 = arith.constant 48 : index
      %get3A_991 = tpu.vector_load %arg10[%get3A_989, %get3A_990] {strides = array<i32>} : memref<512x64xf32, #tpu.memory_space<vmem>>, vector<16xf32>,
      %mul3A_992 = arith.mulf %get3A_988, %get3A_991 : vector<16xf32>
      %add3A_993 = arith.addf %add3A_985, %mul3A_992 : vector<16xf32>
      %reduce_sum3A_994 = arith.constant true
      %reduce_sum3A_995 = vector.broadcast %reduce_sum3A_994 : i1 to vector<16xi1>
      %reduce_sum3A_996 = tpu.scan <sum>, %add3A_993 masked %reduce_sum3A_995 : vector<16xf32>, vector<16xi1> -> vector<16xf32>
      %reduce_sum3A_997 = vector.extract %reduce_sum3A_996[15] : f32 from vector<16xf32>
      %eq3A_998 = arith.constant 13 : i32
      %eq3A_999 = vector.broadcast %eq3A_998 : i32 to vector<16xi32>
      %eq3A_1000 = arith.cmpi eq, %iota3A, %eq3A_999 : vector<16xi32>
      %broadcast_in_dim3A_1001 = vector.broadcast %reduce_sum3A_997 : f32 to vector<16xf32>
      %select_n3A_1002 = arith.select %eq3A_1000, %broadcast_in_dim3A_1001, %select_n3A_955 : vector<16xi1>, vector<16xf32>
      %mul3A_1003 = arith.constant 16 : i32
      %mul3A_1004 = arith.muli %scan3A_345, %mul3A_1003 : i32
      %add3A_1005 = arith.constant 14 : i32
      %add3A_1006 = arith.addi %mul3A_1004, %add3A_1005 : i32
      %broadcast_in_dim3A_1007 = arith.constant 0.000000e+00 : f32
      %broadcast_in_dim3A_1008 = vector.broadcast %broadcast_in_dim3A_1007 : f32 to vector<16xf32>
      %get3A_1009 = arith.index_cast %add3A_1006 : i32 to index
      %get3A_1010 = arith.constant 0 : index
      %get3A_1011 = tpu.vector_load %arg9[%get3A_1009, %get3A_1010] {strides = array<i32>} : memref<512x64xf32, #tpu.memory_space<vmem>>, vector<16xf32>,
      %get3A_1012 = arith.index_cast %add3A_1006 : i32 to index
      %get3A_1013 = arith.constant 0 : index
      %get3A_1014 = tpu.vector_load %arg10[%get3A_1012, %get3A_1013] {strides = array<i32>} : memref<512x64xf32, #tpu.memory_space<vmem>>, vector<16xf32>,
      %mul3A_1015 = arith.mulf %get3A_1011, %get3A_1014 : vector<16xf32>
      %add3A_1016 = arith.addf %broadcast_in_dim3A_1008, %mul3A_1015 : vector<16xf32>
      %get3A_1017 = arith.index_cast %add3A_1006 : i32 to index
      %get3A_1018 = arith.constant 16 : index
      %get3A_1019 = tpu.vector_load %arg9[%get3A_1017, %get3A_1018] {strides = array<i32>} : memref<512x64xf32, #tpu.memory_space<vmem>>, vector<16xf32>,
      %get3A_1020 = arith.index_cast %add3A_1006 : i32 to index
      %get3A_1021 = arith.constant 16 : index
      %get3A_1022 = tpu.vector_load %arg10[%get3A_1020, %get3A_1021] {strides = array<i32>} : memref<512x64xf32, #tpu.memory_space<vmem>>, vector<16xf32>,
      %mul3A_1023 = arith.mulf %get3A_1019, %get3A_1022 : vector<16xf32>
      %add3A_1024 = arith.addf %add3A_1016, %mul3A_1023 : vector<16xf32>
      %get3A_1025 = arith.index_cast %add3A_1006 : i32 to index
      %get3A_1026 = arith.constant 32 : index
      %get3A_1027 = tpu.vector_load %arg9[%get3A_1025, %get3A_1026] {strides = array<i32>} : memref<512x64xf32, #tpu.memory_space<vmem>>, vector<16xf32>,
      %get3A_1028 = arith.index_cast %add3A_1006 : i32 to index
      %get3A_1029 = arith.constant 32 : index
      %get3A_1030 = tpu.vector_load %arg10[%get3A_1028, %get3A_1029] {strides = array<i32>} : memref<512x64xf32, #tpu.memory_space<vmem>>, vector<16xf32>,
      %mul3A_1031 = arith.mulf %get3A_1027, %get3A_1030 : vector<16xf32>
      %add3A_1032 = arith.addf %add3A_1024, %mul3A_1031 : vector<16xf32>
      %get3A_1033 = arith.index_cast %add3A_1006 : i32 to index
      %get3A_1034 = arith.constant 48 : index
      %get3A_1035 = tpu.vector_load %arg9[%get3A_1033, %get3A_1034] {strides = array<i32>} : memref<512x64xf32, #tpu.memory_space<vmem>>, vector<16xf32>,
      %get3A_1036 = arith.index_cast %add3A_1006 : i32 to index
      %get3A_1037 = arith.constant 48 : index
      %get3A_1038 = tpu.vector_load %arg10[%get3A_1036, %get3A_1037] {strides = array<i32>} : memref<512x64xf32, #tpu.memory_space<vmem>>, vector<16xf32>,
      %mul3A_1039 = arith.mulf %get3A_1035, %get3A_1038 : vector<16xf32>
      %add3A_1040 = arith.addf %add3A_1032, %mul3A_1039 : vector<16xf32>
      %reduce_sum3A_1041 = arith.constant true
      %reduce_sum3A_1042 = vector.broadcast %reduce_sum3A_1041 : i1 to vector<16xi1>
      %reduce_sum3A_1043 = tpu.scan <sum>, %add3A_1040 masked %reduce_sum3A_1042 : vector<16xf32>, vector<16xi1> -> vector<16xf32>
      %reduce_sum3A_1044 = vector.extract %reduce_sum3A_1043[15] : f32 from vector<16xf32>
      %eq3A_1045 = arith.constant 14 : i32
      %eq3A_1046 = vector.broadcast %eq3A_1045 : i32 to vector<16xi32>
      %eq3A_1047 = arith.cmpi eq, %iota3A, %eq3A_1046 : vector<16xi32>
      %broadcast_in_dim3A_1048 = vector.broadcast %reduce_sum3A_1044 : f32 to vector<16xf32>
      %select_n3A_1049 = arith.select %eq3A_1047, %broadcast_in_dim3A_1048, %select_n3A_1002 : vector<16xi1>, vector<16xf32>
      %mul3A_1050 = arith.constant 16 : i32
      %mul3A_1051 = arith.muli %scan3A_345, %mul3A_1050 : i32
      %add3A_1052 = arith.constant 15 : i32
      %add3A_1053 = arith.addi %mul3A_1051, %add3A_1052 : i32
      %broadcast_in_dim3A_1054 = arith.constant 0.000000e+00 : f32
      %broadcast_in_dim3A_1055 = vector.broadcast %broadcast_in_dim3A_1054 : f32 to vector<16xf32>
      %get3A_1056 = arith.index_cast %add3A_1053 : i32 to index
      %get3A_1057 = arith.constant 0 : index
      %get3A_1058 = tpu.vector_load %arg9[%get3A_1056, %get3A_1057] {strides = array<i32>} : memref<512x64xf32, #tpu.memory_space<vmem>>, vector<16xf32>,
      %get3A_1059 = arith.index_cast %add3A_1053 : i32 to index
      %get3A_1060 = arith.constant 0 : index
      %get3A_1061 = tpu.vector_load %arg10[%get3A_1059, %get3A_1060] {strides = array<i32>} : memref<512x64xf32, #tpu.memory_space<vmem>>, vector<16xf32>,
      %mul3A_1062 = arith.mulf %get3A_1058, %get3A_1061 : vector<16xf32>
      %add3A_1063 = arith.addf %broadcast_in_dim3A_1055, %mul3A_1062 : vector<16xf32>
      %get3A_1064 = arith.index_cast %add3A_1053 : i32 to index
      %get3A_1065 = arith.constant 16 : index
      %get3A_1066 = tpu.vector_load %arg9[%get3A_1064, %get3A_1065] {strides = array<i32>} : memref<512x64xf32, #tpu.memory_space<vmem>>, vector<16xf32>,
      %get3A_1067 = arith.index_cast %add3A_1053 : i32 to index
      %get3A_1068 = arith.constant 16 : index
      %get3A_1069 = tpu.vector_load %arg10[%get3A_1067, %get3A_1068] {strides = array<i32>} : memref<512x64xf32, #tpu.memory_space<vmem>>, vector<16xf32>,
      %mul3A_1070 = arith.mulf %get3A_1066, %get3A_1069 : vector<16xf32>
      %add3A_1071 = arith.addf %add3A_1063, %mul3A_1070 : vector<16xf32>
      %get3A_1072 = arith.index_cast %add3A_1053 : i32 to index
      %get3A_1073 = arith.constant 32 : index
      %get3A_1074 = tpu.vector_load %arg9[%get3A_1072, %get3A_1073] {strides = array<i32>} : memref<512x64xf32, #tpu.memory_space<vmem>>, vector<16xf32>,
      %get3A_1075 = arith.index_cast %add3A_1053 : i32 to index
      %get3A_1076 = arith.constant 32 : index
      %get3A_1077 = tpu.vector_load %arg10[%get3A_1075, %get3A_1076] {strides = array<i32>} : memref<512x64xf32, #tpu.memory_space<vmem>>, vector<16xf32>,
      %mul3A_1078 = arith.mulf %get3A_1074, %get3A_1077 : vector<16xf32>
      %add3A_1079 = arith.addf %add3A_1071, %mul3A_1078 : vector<16xf32>
      %get3A_1080 = arith.index_cast %add3A_1053 : i32 to index
      %get3A_1081 = arith.constant 48 : index
      %get3A_1082 = tpu.vector_load %arg9[%get3A_1080, %get3A_1081] {strides = array<i32>} : memref<512x64xf32, #tpu.memory_space<vmem>>, vector<16xf32>,
      %get3A_1083 = arith.index_cast %add3A_1053 : i32 to index
      %get3A_1084 = arith.constant 48 : index
      %get3A_1085 = tpu.vector_load %arg10[%get3A_1083, %get3A_1084] {strides = array<i32>} : memref<512x64xf32, #tpu.memory_space<vmem>>, vector<16xf32>,
      %mul3A_1086 = arith.mulf %get3A_1082, %get3A_1085 : vector<16xf32>
      %add3A_1087 = arith.addf %add3A_1079, %mul3A_1086 : vector<16xf32>
      %reduce_sum3A_1088 = arith.constant true
      %reduce_sum3A_1089 = vector.broadcast %reduce_sum3A_1088 : i1 to vector<16xi1>
      %reduce_sum3A_1090 = tpu.scan <sum>, %add3A_1087 masked %reduce_sum3A_1089 : vector<16xf32>, vector<16xi1> -> vector<16xf32>
      %reduce_sum3A_1091 = vector.extract %reduce_sum3A_1090[15] : f32 from vector<16xf32>
      %eq3A_1092 = arith.constant 15 : i32
      %eq3A_1093 = vector.broadcast %eq3A_1092 : i32 to vector<16xi32>
      %eq3A_1094 = arith.cmpi eq, %iota3A, %eq3A_1093 : vector<16xi32>
      %broadcast_in_dim3A_1095 = vector.broadcast %reduce_sum3A_1091 : f32 to vector<16xf32>
      %select_n3A_1096 = arith.select %eq3A_1094, %broadcast_in_dim3A_1095, %select_n3A_1049 : vector<16xi1>, vector<16xf32>
      %mul3A_1097 = arith.constant 16 : i32
      %mul3A_1098 = arith.muli %scan3A_345, %mul3A_1097 : i32
      %swap3A_1099 = arith.index_cast %mul3A_1098 : i32 to index
      %swap3A_1100 = tpu.vector_load %arg11[%swap3A_1099] {strides = array<i32>} : memref<512xf32, #tpu.memory_space<vmem>>, vector<16xf32>,
      tpu.vector_store %arg11[%swap3A_1099], %select_n3A_1096 {strides = array<i32>} : memref<512xf32, #tpu.memory_space<vmem>>, vector<16xf32>,
    }
    %scan3A_344 = arith.constant 32 : i32
    "tpu.region"() ({
      %run_scoped3A = tpu.sem_alloc : memref<!tpu.dma_semaphore, #tpu.memory_space<semaphore_mem>>
      %dma_start3A_345 = tpu.memref_slice %arg6[%multiple_of3A] : memref<16384xf32, #tpu.memory_space<hbm>> -> memref<512xf32, #tpu.memory_space<hbm>>
      %dma_start3A_346 = tpu.memref_slice %arg6[%multiple_of3A] : memref<16384xf32, #tpu.memory_space<hbm>> -> memref<512xf32, #tpu.memory_space<hbm>>
      tpu.enqueue_dma source(%arg11 : memref<512xf32, #tpu.memory_space<vmem>>) target(%dma_start3A_346 : memref<512xf32, #tpu.memory_space<hbm>>) target_semaphore(%run_scoped3A : memref<!tpu.dma_semaphore, #tpu.memory_space<semaphore_mem>>)
      %dma_wait3A_347 = tpu.memref_slice %arg6[%multiple_of3A] : memref<16384xf32, #tpu.memory_space<hbm>> -> memref<512xf32, #tpu.memory_space<hbm>>
      %dma_wait3A_348 = tpu.memref_slice %arg6[%multiple_of3A] : memref<16384xf32, #tpu.memory_space<hbm>> -> memref<512xf32, #tpu.memory_space<hbm>>
      tpu.wait_dma2 semaphore(%run_scoped3A : memref<!tpu.dma_semaphore, #tpu.memory_space<semaphore_mem>>) src(%arg11 : memref<512xf32, #tpu.memory_space<vmem>>) dst(%dma_wait3A_348 : memref<512xf32, #tpu.memory_space<hbm>>)
      tpu.yield
    }) : () -> ()
    return
  }
}

</mosaic_0001>

<sc_bundles>
// kernel: kernel.3.cloned.1.call-start
scs
__scs_entry_jumppad:
0x0: {  	(pc) =	sbr.rel $0x88, $3  }
0x1: {  	(tag) =	ssettag $0x0;
	lr =	simm.s32 $0x1  }
0x2: {  	[smem:$0x3F9D] =	sst lr;
	_ =	strace $0xD0000000  }
0x3: {  	_ = 	snop  }
0x4: {  	_ = 	snop  }
0x5: {  	_ = 	snop  }
0x6: {  	_ = 	snop  }
0x7: {  	_ = 	snop  }
__scs_overlays_trampoline_lowered:
0x8: {  	[smem:$0x3FAC] =	sst s0  }
0x9: {  	[smem:$0x3FAD] =	sst s1  }
0xa: {  	[smem:$0x3FAE] =	sst s2  }
0xb: {  	[smem:$0x3FAF] =	sst s3  }
0xc: {  	[smem:$0x3FB0] =	sst s4  }
0xd: {  	[smem:$0x3FB1] =	sst s5  }
0xe: {  	[smem:$0x3FB2] =	sst s6  }
0xf: {  	[smem:$0x3FB3] =	sst s7  }
0x10: {  	[smem:$0x3FB4] =	sst s8  }
0x11: {  	[smem:$0x3FB5] =	sst s9;
	s0 =	simm.s32 @!p0 $0x0  }
0x12: {  	s1 =	sld [smem:$0x3F9B];
	s0 =	simm.s32 @p0 $0x1  }
0x13: {  	[smem:$0x3FB6] =	sst s0;
	s0 =	simm.s32 @!p1 $0x0  }
0x14: {  	s2 =	sld [smem:$0x3F9A];
	s0 =	simm.s32 @p1 $0x1  }
0x15: {  	[smem:$0x3FB7] =	sst s0;
	s0 =	simm.s32 @!p2 $0x0  }
0x16: {  	s3 =	sld [smem:$0x3FDB];
	s0 =	simm.s32 @p2 $0x1  }
0x17: {  	s4 =	simm.s32 $0x1BF5;
	[smem:$0x3FB9] =	sst s0  }
0x18: {  	s0 =	sld [smem:$0x3F9C];
	_ =	swait.ge [sflag:s4], $0x0  }
0x19: {  	s7 =	sld [smem:$0x3F9D]  }
0x1a: {  	s8 =	sadd.s32 $0xFFFFE003, lr  }
0x1b: {  	s9 =	sadd.s32 $0xFFFFFEF7, lr;
	s5 =	simm.s32 $0xFFFFFFFF;
	p2 =	slt.u32 s8, $0xFFFFF086  }
0x1c: {  	p1 =	slt.u32 s9, $0xF7A;
	s5 =	simm.s32 @!p2 $0x0  }
0x1d: {  	s5 =	simm.s32 @p1 $0x1;
	p0 =	seq.s32 s7, s2  }
0x1e: {  	s7 =	smul.u32 @!p0 $0xF7A, s2;
	p2 =	seq.s32 @!p0 s5, $0x0  }
0x1f: {  	s9 =	smul.u32 $0xF7A, s1;
	s8 =	simm.s32 @!p0 $0x1BF5;
	p2 =	por !p2, p0  }
0x20: {  	[sflag:s8] =	ssyncset.s32 @!p0 $0xFFFFF086;
	s6 =	sadd.s32 @!p0 s3, s7;
	s7 =	simm.s32 @!p0 $0x108  }
0x21: {  	s3 =	sadd.s32 s3, s9;
	s6 =	sadd.s32 @!p0 $0x88, s6;
	s7 =	simm.s32 @p2 $0x1082  }
0x22: {  	[simem:s7], [sflag:s8] =	dma.local @!p0 [hbm:s6], $0xF7A  }
0x23: {  	s9 =	sor.u32 $0xD0000000, s2;
	s6 =	simm.s32 $0x108;
	_ =	swait.ge @!p0 [sflag:s8], $0x0  }
0x24: {  	s3 =	sadd.s32 $0x88, s3;
	s6 =	simm.s32 @!p1 $0x1082;
	[sflag:s4] =	ssyncset.s32 $0xFFFFF086  }
0x25: {  	[simem:s6], [sflag:s4] =	dma.local [hbm:s3], $0xF7A  }
0x26: {  	[smem:$0x3F9D] =	sst s1;
	(tag) =	ssettag s2;
	_ =	strace s9  }
0x27: {  	s1 =	sld [smem:$0x3FAD]  }
0x28: {  	s2 =	sld [smem:$0x3FAE]  }
0x29: {  	s4 =	sld [smem:$0x3FB0]  }
0x2a: {  	p0 =	seq.s32 s5, $0x0;
	s5 =	sld [smem:$0x3FB1]  }
0x2b: {  	s6 =	sld [smem:$0x3FB2]  }
0x2c: {  	s7 =	sld [smem:$0x3FB3]  }
0x2d: {  	s3 =	simm.s32 $0x108;
	s8 =	sld [smem:$0x3FB4]  }
0x2e: {  	s3 =	simm.s32 @!p0 $0x1082;
	s9 =	sld [smem:$0x3FB5]  }
0x2f: {  	lr =	sadd.s32 s0, s3;
	s0 =	sld [smem:$0x3FAC]  }
0x30: {  	s3 =	sld [smem:$0x3FAF]  }
0x31: {  	[smem:$0x3FB8] =	sst s10  }
0x32: {  	s10 =	sld [smem:$0x3FB6];
	_ =	sdelay $0x3  }
0x33: {  	p0 =	seq.s32 s10, $0x1;
	s10 =	sld [smem:$0x3FB8];
	_ =	sdelay $0x3  }
0x34: {  	[smem:$0x3FB8] =	sst s10  }
0x35: {  	s10 =	sld [smem:$0x3FB7];
	_ =	sdelay $0x3  }
0x36: {  	p1 =	seq.s32 s10, $0x1;
	s10 =	sld [smem:$0x3FB8];
	_ =	sdelay $0x3  }
0x37: {  	[smem:$0x3FB8] =	sst s10  }
0x38: {  	s10 =	sld [smem:$0x3FB9]  }
0x39: {  	_ = 	snop;
	(pc) =	sbr.ind lr, $3  }
0x3a: {  	_ = 	snop  }
0x3b: {  	_ = 	snop  }
0x3c: {  	p2 =	seq.s32 s10, $0x1;
	s10 =	sld [smem:$0x3FB8]  }
0x3d: {  	_ =	shalt  }
0x3e: {  	_ =	shalt  }
0x3f: {  	_ =	shalt  }
0x40: {  	_ =	shalt  }
0x41: {  	_ =	shalt  }
0x42: {  	_ =	shalt  }
0x43: {  	_ =	shalt  }
0x44: {  	_ =	shalt  }
0x45: {  	_ =	shalt  }
0x46: {  	_ =	shalt  }
0x47: {  	_ =	shalt  }
0x48: {  	_ =	shalt  }
0x49: {  	_ =	shalt  }
0x4a: {  	_ =	shalt  }
0x4b: {  	_ =	shalt  }
0x4c: {  	_ =	shalt  }
0x4d: {  	_ =	shalt  }
0x4e: {  	_ =	shalt  }
0x4f: {  	_ =	shalt  }
0x50: {  	_ =	shalt  }
0x51: {  	_ =	shalt  }
0x52: {  	_ =	shalt  }
0x53: {  	_ =	shalt  }
0x54: {  	_ =	shalt  }
0x55: {  	_ =	shalt  }
0x56: {  	_ =	shalt  }
0x57: {  	_ =	shalt  }
0x58: {  	_ =	shalt  }
0x59: {  	_ =	shalt  }
0x5a: {  	_ =	shalt  }
0x5b: {  	_ =	shalt  }
0x5c: {  	_ =	shalt  }
0x5d: {  	_ =	shalt  }
0x5e: {  	_ =	shalt  }
0x5f: {  	_ =	shalt  }
0x60: {  	_ =	shalt  }
0x61: {  	_ =	shalt  }
0x62: {  	_ =	shalt  }
0x63: {  	_ =	shalt  }
0x64: {  	_ =	shalt  }
0x65: {  	_ =	shalt  }
0x66: {  	_ =	shalt  }
0x67: {  	_ =	shalt  }
0x68: {  	_ =	shalt  }
0x69: {  	_ =	shalt  }
0x6a: {  	_ =	shalt  }
0x6b: {  	_ =	shalt  }
0x6c: {  	_ =	shalt  }
0x6d: {  	_ =	shalt  }
0x6e: {  	_ =	shalt  }
0x6f: {  	_ =	shalt  }
0x70: {  	_ =	shalt  }
0x71: {  	_ =	shalt  }
0x72: {  	_ =	shalt  }
0x73: {  	_ =	shalt  }
0x74: {  	_ =	shalt  }
0x75: {  	_ =	shalt  }
0x76: {  	_ =	shalt  }
0x77: {  	_ =	shalt  }
0x78: {  	_ =	shalt  }
0x79: {  	_ =	shalt  }
0x7a: {  	_ =	shalt  }
0x7b: {  	_ =	shalt  }
0x7c: {  	_ =	shalt  }
0x7d: {  	_ =	shalt  }
0x7e: {  	_ =	shalt  }
0x7f: {  	_ =	shalt  }
0x80: {  	_ =	shalt  }
0x81: {  	_ =	shalt  }
0x82: {  	_ =	shalt  }
0x83: {  	_ =	shalt  }
0x84: {  	_ =	shalt  }
0x85: {  	_ =	shalt  }
0x86: {  	_ =	shalt  }
0x87: {  	_ =	shalt  }
.Lfunc_end0:
.L_simem_size_0:
called_computation_lowered:
.L_overlay_start_0:
0x88: {  	s2 =	sld [smem:$0x3FD9]  }
0x89: {  	s3 =	sld [smem:$0x3FFE];
	_ =	sdelay $0x1  }
0x8a: {  	s1 =	srdreg.scid  }
0x8b: {  	s0 =	sand.u32 $0x1, s1  }
0x8c: {  	s17 =	sshll.u32 s0, $0xA;
	s2 =	sadd.s32 s3, s2  }
0x8d: {  	s2 =	sadd.s32 s2, s17  }
0x8e: {  	[smem:$0x3FC4] =	sst s2  }
0x8f: {  	_ = 	snop  }
0x90: {  	s2 =	sld [smem:$0x3FC9]  }
0x91: {  	s18 =	sld [smem:$0x3FC8]  }
0x92: {  	s4 =	sld [smem:$0x3FD0];
	(tm) =	ssettm $0x1  }
0x93: {  	s5 =	sld [smem:$0x3FFB];
	_ =	sdelay $0x3  }
0x94: {  	_ =	strace s5  }
0x95: {  	s5 =	sld [smem:$0x3FFC];
	_ =	sdelay $0x3  }
0x96: {  	_ =	strace s5  }
0x97: {  	s5 =	sld [smem:$0x3FFD];
	_ =	sdelay $0x3  }
0x98: {  	_ =	strace s5  }
0x99: {  	_ =	strace $0x8FFFFFFF  }
0x9a: {  	s19 =	sld [smem:$0x3FDB];
	_ =	sdelay $0x1  }
0x9b: {  	s6 =	simm.s32 $_scs_section_size  }
0x9c: {  	s7 =	simm.s32 $_size__tile_overlayer_lowered;
	s8 =	simm.s32 $_tile_overlayer_lowered  }
0x9d: {  	s22 =	simm.s32 $0x1BFF;
	s21 =	sshll.u32 s8, $0x1;
	s5 =	sadd.s32 s6, s19  }
0x9e: {  	s9 =	simm.s32 $0x0;
	s20 =	sshll.u32 s7, $0x1;
	s7 =	sadd.s32 s21, s5  }
0x9f: {  	[timem:s9], [sflag:s22] =	dma.local [hbm:s7], s20  }
0xa0: {  	_ =	swait.ge [sflag:s22], s20  }
0xa1: {  	s6 =	ssub.s32 $0x0, s20;
	[sflag:s22] =	ssyncset.done $0x0  }
0xa2: {  	[sflag:s22] =	ssyncadd.s32 s6;
	_ =	sdelay $0x1  }
0xa3: {  	s23 =	simm.s32 $0x1B8B  }
0xa4: {  	_ =	swait.ge [sflag:s23], $0x1  }
0xa5: {  	[sflag:s23] =	ssyncset.done $0x0  }
0xa6: {  	s25 =	simm.s32 $0x1B8E;
	s24 =	sld [smem:$0x3FFE];
	[sflag:s23] =	ssyncadd.s32 $0xFFFFFFFF  }
0xa7: {  	s26 =	simm.s32 $execute0_lowered;
	[smem:$0x3FD2] =	sst s25  }
0xa8: {  	s7 =	sshll.u32 s26, $0x1;
	_ =	strace $0x80000046;
	[dreg:$0x1] =	wrdreg $0xFFFFFFFF  }
0xa9: {  	s28 =	simm.s32 $_size_execute0_lowered;
	s5 =	sadd.s32 s5, s7;
	[dreg:$0x0] =	wrdreg $0x0  }
0xaa: {  	s7 =	sshll.u32 s28, $0x1;
	[dreg:$0x2] =	wrdreg s5  }
0xab: {  	[dreg:$0x3] =	wrdreg s7  }
0xac: {  	[dreg:$0x4] =	wrdreg $0xC0  }
0xad: {  	_ =	task [dreg:s9], $0x5FFFF  }
0xae: {  	[dreg:$0x1] =	wrdreg $0xFFFFFFFF  }
0xaf: {  	[dreg:$0x0] =	wrdreg $0x60  }
0xb0: {  	[dreg:$0x2] =	wrdreg s2  }
0xb1: {  	[dreg:$0x3] =	wrdreg s18  }
0xb2: {  	[dreg:$0x4] =	wrdreg s24  }
0xb3: {  	[dreg:$0x5] =	wrdreg s4  }
0xb4: {  	[dreg:$0x6] =	wrdreg $0x9  }
0xb5: {  	_ =	task.clear_ibuf [dreg:s9], $0x7FFFF;
	_ =	strace $0x90000046  }
0xb6: {  	s29 =	simm.s32 $0x9;
	_ =	strace $0x80000048  }
0xb7: {  	_ =	swait.ge [sflag:s29], $0x1  }
0xb8: {  	[sflag:s29] =	ssyncadd.s32 $0xFFFFFFFF  }
0xb9: {  	_ =	strace $0x90000048  }
0xba: {  	_ =	sfence  }
0xbb: {  	s30 =	sld [smem:$0x0];
	_ =	sdelay $0x2  }
0xbc: {  	s31 =	sshll.u32 s1, $0xD;
	s1 =	sshrl.u32 s1, $0x2  }
0xbd: {  	s3 =	sand.u32 $0x4000, s31;
	s1 =	sadd.s32 s1, s30  }
0xbe: {  	s0 =	sor.u32 s3, s0;
	s1 =	sshll.u32 s1, $0x11  }
0xbf: {  	s0 =	sor.u32 s1, s0  }
0xc0: {  	s0 =	sadd.s32 $0x8F2B, s0  }
0xc1: {  	[sflag:s0] =	ssyncadd.remote.s32 $0x1  }
0xc2: {  	_ =	sfence.sel $0xFFFF  }
0xc3: {  	[dreg:$0x0] =	wrdreg $0xFFFFFFFF;
	(pc) =	sbr.abs _section_cstart, $3  }
0xc4: {  	[dreg:$0x1] =	wrdreg $0xFFFFFFFF  }
0xc5: {  	_ =	task.clear_ibuf [dreg:s9], $0x2FFFF;
	_ =	strace $0x9FFFFFFF  }
0xc6: {  	(tm) =	ssettm $0x7FFFFFFF  }
0xc7: {  	_ =	shalt  }
tec
execute0_lowered:
.L_overlay_start_1:
0x0: {  	(tag) =	ssettag $0x1  }
0x1: {  	s5 =	rddreg [dreg:$0x0]  }
0x2: {  	s6 =	rddreg [dreg:$0x1]  }
0x3: {  	s4 =	rddreg [dreg:$0x2]  }
0x4: {  	s7 =	rddreg [dreg:$0x3]  }
0x5: {  	s0 =	rddreg [dreg:$0x4];
	s1 =	simm.s32 $0x0;
	s2 =	srdreg.scid  }
0x6: {  	s12 =	simm.s32 $0x8400;
	s13 =	simm.s32 $0x2;
	s14 =	simm.s32 $0x10400  }
0x7: {  	s15 =	simm.s32 $0x3;
	s16 =	simm.s32 $0x0;
	[smem:$0x7FF] =	sst s1  }
0x8: {  	s8 =	sand.u32 $0x1, s2;
	s3 =	sadd.s32 $0xF42A00, s4;
	s2 =	stileid.u32  }
0x9: {  	vm0 =	vmmov $0x1;
	vm1 =	vmmov $0x3;
	vm2 =	vmmov $0x7;
	s4 =	sadd.s32 $0x16E3E00, s4;
	_ =	strace $0x80000047;
	s9 =	ssub.s32 $0x2, s8  }
0xa: {  	vm3 =	vmmov $0xf;
	vm4 =	vmmov $0x1f;
	vm5 =	vmmov $0x3f;
	s11 =	sshll.u32 s2, $0x7;
	s8 =	sshll.u32 s8, $0x6;
	s10 =	sshrl.u32 s9, $0x1  }
0xb: {  	vm6 =	vmmov $0x7f;
	vm7 =	vmmov $0xff;
	vm8 =	vmmov $0x1ff;
	s8 =	sor.u32 s8, s11;
	s11 =	simm.s32 $0x400;
	s9 =	ssub.s32 s9, s10  }
0xc: {  	vm9 =	vmmov $0x3ff;
	vm10 =	vmmov $0x7ff;
	vm11 =	vmmov $0xfff;
	s5 =	sadd.s32 s5, s8;
	s6 =	sadd.s32 s6, s8;
	s7 =	sadd.s32 s7, s8  }
0xd: {  	vm12 =	vmmov $0x1fff;
	vm13 =	vmmov $0x3fff;
	vm14 =	vmmov $0x7fff;
	s10 =	simm.s32 $0x1;
	s8 =	smax.u32 s9, $0x1;
	s9 =	simm.s32 $0x200  }
.LBB2_1:
0xe: {  	[tilespmem:s1], [sflag:$0x1] =	stream.linear.gather [hbm4b:s5+s1], $0x200, $0x38;
	[tilespmem:$0x10600] =	vst v63  }
0xf: {  	_ = 	snop  }
0x10: {  	[tilespmem:s9], [sflag:$0x1] =	stream.linear.gather [hbm4b:s6+s1], $0x200, $0x38;
	[tilespmem:$0x10600] =	vst v63  }
0x11: {  	_ =	swait.ge [sflag:s10], $0x200  }
0x12: {  	[sflag:s10] =	ssyncset.done $0x0  }
0x13: {  	[sflag:s10] =	ssyncadd.s32 $0xFFFFFE00  }
0x14: {  	_ =	swait.ge [sflag:s10], $0x200  }
0x15: {  	[sflag:s10] =	ssyncset.done $0x0  }
0x16: {  	[sflag:s10] =	ssyncadd.s32 $0xFFFFFE00  }
0x17: {  	v0 =	vld [tilespmem:$0x0]  }
0x18: {  	v1 =	vld [tilespmem:$0x200]  }
0x19: {  	v2 =	vld [tilespmem:$0x10]  }
0x1a: {  	v3 =	vld [tilespmem:$0x210]  }
0x1b: {  	v4 =	vld [tilespmem:$0x20]  }
0x1c: {  	v5 =	vld [tilespmem:$0x220];
	v0 =	vadd.s32 $0x1, v0  }
0x1d: {  	v39 =	vld [tilespmem:$0x30];
	v38 =	vadd.s32 $0x1, v1;
	[tilespmem:$0x0] =	vst v0  }
0x1e: {  	v41 =	vld [tilespmem:$0x230];
	v40 =	vadd.s32 $0x1, v2;
	[tilespmem:$0x200] =	vst v38  }
0x1f: {  	v43 =	vld [tilespmem:$0x40];
	v42 =	vadd.s32 $0x1, v3;
	[tilespmem:$0x10] =	vst v40  }
0x20: {  	v45 =	vld [tilespmem:$0x240];
	v44 =	vadd.s32 $0x1, v4;
	[tilespmem:$0x210] =	vst v42  }
0x21: {  	v47 =	vld [tilespmem:$0x50];
	v46 =	vadd.s32 $0x1, v5;
	[tilespmem:$0x20] =	vst v44  }
0x22: {  	v49 =	vld [tilespmem:$0x250];
	v48 =	vadd.s32 $0x1, v39;
	[tilespmem:$0x220] =	vst v46  }
0x23: {  	v51 =	vld [tilespmem:$0x60];
	v50 =	vadd.s32 $0x1, v41;
	[tilespmem:$0x30] =	vst v48  }
0x24: {  	v53 =	vld [tilespmem:$0x260];
	v52 =	vadd.s32 $0x1, v43;
	[tilespmem:$0x230] =	vst v50  }
0x25: {  	v55 =	vld [tilespmem:$0x70];
	v54 =	vadd.s32 $0x1, v45;
	[tilespmem:$0x40] =	vst v52  }
0x26: {  	v57 =	vld [tilespmem:$0x270];
	v56 =	vadd.s32 $0x1, v47;
	[tilespmem:$0x240] =	vst v54  }
0x27: {  	v59 =	vld [tilespmem:$0x80];
	v58 =	vadd.s32 $0x1, v49;
	[tilespmem:$0x50] =	vst v56  }
0x28: {  	v61 =	vld [tilespmem:$0x280];
	v60 =	vadd.s32 $0x1, v51;
	[tilespmem:$0x250] =	vst v58  }
0x29: {  	v63 =	vld [tilespmem:$0x90];
	v62 =	vadd.s32 $0x1, v53;
	[tilespmem:$0x60] =	vst v60  }
0x2a: {  	v9 =	vld [tilespmem:$0x290];
	v8 =	vadd.s32 $0x1, v55;
	[tilespmem:$0x260] =	vst v62  }
0x2b: {  	v11 =	vld [tilespmem:$0xA0];
	v10 =	vadd.s32 $0x1, v57;
	[tilespmem:$0x70] =	vst v8  }
0x2c: {  	v33 =	vld [tilespmem:$0x2A0];
	v32 =	vadd.s32 $0x1, v59;
	[tilespmem:$0x270] =	vst v10  }
0x2d: {  	v35 =	vld [tilespmem:$0xB0];
	v34 =	vadd.s32 $0x1, v61;
	[tilespmem:$0x80] =	vst v32  }
0x2e: {  	v37 =	vld [tilespmem:$0x2B0];
	v36 =	vadd.s32 $0x1, v63;
	[tilespmem:$0x280] =	vst v34  }
0x2f: {  	v39 =	vld [tilespmem:$0xC0];
	[tilespmem:$0x90] =	vst v36;
	v38 =	vadd.s32 $0x1, v9  }
0x30: {  	v41 =	vld [tilespmem:$0x2C0];
	v40 =	vadd.s32 $0x1, v11;
	[tilespmem:$0x290] =	vst v38  }
0x31: {  	v43 =	vld [tilespmem:$0xD0];
	v42 =	vadd.s32 $0x1, v33;
	[tilespmem:$0xA0] =	vst v40  }
0x32: {  	v45 =	vld [tilespmem:$0x2D0];
	v44 =	vadd.s32 $0x1, v35;
	[tilespmem:$0x2A0] =	vst v42  }
0x33: {  	v47 =	vld [tilespmem:$0xE0];
	v46 =	vadd.s32 $0x1, v37;
	[tilespmem:$0xB0] =	vst v44  }
0x34: {  	v49 =	vld [tilespmem:$0x2E0];
	[tilespmem:$0x2B0] =	vst v46;
	v48 =	vadd.s32 $0x1, v39  }
0x35: {  	v51 =	vld [tilespmem:$0xF0];
	v50 =	vadd.s32 $0x1, v41;
	[tilespmem:$0xC0] =	vst v48  }
0x36: {  	v53 =	vld [tilespmem:$0x2F0];
	v52 =	vadd.s32 $0x1, v43;
	[tilespmem:$0x2C0] =	vst v50  }
0x37: {  	v55 =	vld [tilespmem:$0x100];
	v54 =	vadd.s32 $0x1, v45;
	[tilespmem:$0xD0] =	vst v52  }
0x38: {  	v57 =	vld [tilespmem:$0x300];
	v56 =	vadd.s32 $0x1, v47;
	[tilespmem:$0x2D0] =	vst v54  }
0x39: {  	v59 =	vld [tilespmem:$0x110];
	v58 =	vadd.s32 $0x1, v49;
	[tilespmem:$0xE0] =	vst v56  }
0x3a: {  	v61 =	vld [tilespmem:$0x310];
	v60 =	vadd.s32 $0x1, v51;
	[tilespmem:$0x2E0] =	vst v58  }
0x3b: {  	v63 =	vld [tilespmem:$0x120];
	v62 =	vadd.s32 $0x1, v53;
	[tilespmem:$0xF0] =	vst v60  }
0x3c: {  	v8 =	vld [tilespmem:$0x320];
	v7 =	vadd.s32 $0x1, v55;
	[tilespmem:$0x2F0] =	vst v62  }
0x3d: {  	v10 =	vld [tilespmem:$0x130];
	v9 =	vadd.s32 $0x1, v57;
	[tilespmem:$0x100] =	vst v7  }
0x3e: {  	v32 =	vld [tilespmem:$0x330];
	v11 =	vadd.s32 $0x1, v59;
	[tilespmem:$0x300] =	vst v9  }
0x3f: {  	v34 =	vld [tilespmem:$0x140];
	v33 =	vadd.s32 $0x1, v61;
	[tilespmem:$0x110] =	vst v11  }
0x40: {  	v36 =	vld [tilespmem:$0x340];
	v35 =	vadd.s32 $0x1, v63;
	[tilespmem:$0x310] =	vst v33  }
0x41: {  	v38 =	vld [tilespmem:$0x150];
	[tilespmem:$0x120] =	vst v35;
	v37 =	vadd.s32 $0x1, v8  }
0x42: {  	v40 =	vld [tilespmem:$0x350];
	v39 =	vadd.s32 $0x1, v10;
	[tilespmem:$0x320] =	vst v37  }
0x43: {  	v42 =	vld [tilespmem:$0x160];
	v41 =	vadd.s32 $0x1, v32;
	[tilespmem:$0x130] =	vst v39  }
0x44: {  	v44 =	vld [tilespmem:$0x360];
	v43 =	vadd.s32 $0x1, v34;
	[tilespmem:$0x330] =	vst v41  }
0x45: {  	v46 =	vld [tilespmem:$0x170];
	v45 =	vadd.s32 $0x1, v36;
	[tilespmem:$0x140] =	vst v43  }
0x46: {  	v48 =	vld [tilespmem:$0x370];
	[tilespmem:$0x340] =	vst v45;
	v47 =	vadd.s32 $0x1, v38  }
0x47: {  	v50 =	vld [tilespmem:$0x180];
	v49 =	vadd.s32 $0x1, v40;
	[tilespmem:$0x150] =	vst v47  }
0x48: {  	v52 =	vld [tilespmem:$0x380];
	v51 =	vadd.s32 $0x1, v42;
	[tilespmem:$0x350] =	vst v49  }
0x49: {  	v54 =	vld [tilespmem:$0x190];
	v53 =	vadd.s32 $0x1, v44;
	[tilespmem:$0x160] =	vst v51  }
0x4a: {  	v56 =	vld [tilespmem:$0x390];
	v55 =	vadd.s32 $0x1, v46;
	[tilespmem:$0x360] =	vst v53  }
0x4b: {  	v58 =	vld [tilespmem:$0x1A0];
	[tilespmem:$0x170] =	vst v55;
	v57 =	vadd.s32 $0x1, v48  }
0x4c: {  	v60 =	vld [tilespmem:$0x3A0];
	v59 =	vadd.s32 $0x1, v50;
	[tilespmem:$0x370] =	vst v57  }
0x4d: {  	v62 =	vld [tilespmem:$0x1B0];
	v61 =	vadd.s32 $0x1, v52;
	[tilespmem:$0x180] =	vst v59  }
0x4e: {  	v8 =	vld [tilespmem:$0x3B0];
	v63 =	vadd.s32 $0x1, v54;
	[tilespmem:$0x380] =	vst v61  }
0x4f: {  	v10 =	vld [tilespmem:$0x1C0];
	v9 =	vadd.s32 $0x1, v56;
	[tilespmem:$0x190] =	vst v63  }
0x50: {  	v32 =	vld [tilespmem:$0x3C0];
	v11 =	vadd.s32 $0x1, v58;
	[tilespmem:$0x390] =	vst v9  }
0x51: {  	v34 =	vld [tilespmem:$0x1D0];
	v33 =	vadd.s32 $0x1, v60;
	[tilespmem:$0x1A0] =	vst v11  }
0x52: {  	v36 =	vld [tilespmem:$0x3D0];
	v35 =	vadd.s32 $0x1, v62;
	[tilespmem:$0x3A0] =	vst v33  }
0x53: {  	v38 =	vld [tilespmem:$0x1E0];
	v37 =	vadd.s32 $0x1, v8;
	[tilespmem:$0x1B0] =	vst v35  }
0x54: {  	v40 =	vld [tilespmem:$0x3E0];
	v39 =	vadd.s32 $0x1, v10;
	[tilespmem:$0x3B0] =	vst v37  }
0x55: {  	v42 =	vld [tilespmem:$0x1F0];
	v41 =	vadd.s32 $0x1, v32;
	[tilespmem:$0x1C0] =	vst v39  }
0x56: {  	v44 =	vld [tilespmem:$0x3F0];
	v43 =	vadd.s32 $0x1, v34;
	[tilespmem:$0x3C0] =	vst v41  }
0x57: {  	v45 =	vadd.s32 $0x1, v36;
	[tilespmem:$0x1D0] =	vst v43  }
0x58: {  	[tilespmem:$0x3D0] =	vst v45;
	v46 =	vadd.s32 $0x1, v38  }
0x59: {  	v47 =	vadd.s32 $0x1, v40;
	[tilespmem:$0x1E0] =	vst v46  }
0x5a: {  	v48 =	vadd.s32 $0x1, v42;
	[tilespmem:$0x3E0] =	vst v47  }
0x5b: {  	v49 =	vadd.s32 $0x1, v44;
	[tilespmem:$0x1F0] =	vst v48  }
0x5c: {  	[tilespmem:$0x3F0] =	vst v49  }
0x5d: {  	[tilespmem:s11], [sflag:$0x2] =	stream.indirect.gather [hbm4b:s3+s9], $0x40, s1, s9, $0xb8;
	[tilespmem:$0x10600] =	vst v63  }
0x5e: {  	_ = 	snop  }
0x5f: {  	[tilespmem:s12], [sflag:$0x2] =	stream.indirect.gather [hbm4b:s4+s9], $0x40, s9, s9, $0xb8;
	[tilespmem:$0x10600] =	vst v63  }
0x60: {  	_ =	swait.ge [sflag:s13], $0x8000  }
0x61: {  	[sflag:s13] =	ssyncset.done $0x0  }
0x62: {  	[sflag:s13] =	ssyncadd.s32 $0xFFFF8000  }
0x63: {  	_ =	swait.ge [sflag:s13], $0x8000  }
0x64: {  	[sflag:s13] =	ssyncset.done $0x0  }
0x65: {  	s17 =	simm.s32 $0x0;
	[sflag:s13] =	ssyncadd.s32 $0xFFFF8000  }
0x66: {  	v20 =	vld [tilespmem:s17+$0x7B0]  }
0x67: {  	v21 =	vld [tilespmem:s17+$0x87B0]  }
0x68: {  	v50 =	vld [tilespmem:s17+$0x7D0]  }
0x69: {  	v51 =	vld [tilespmem:s17+$0x87D0]  }
0x6a: {  	v22 =	vld [tilespmem:s17+$0x7A0]  }
0x6b: {  	v23 =	vld [tilespmem:s17+$0x87A0]  }
0x6c: {  	v52 =	vld [tilespmem:s17+$0x7C0]  }
0x6d: {  	v53 =	vld [tilespmem:s17+$0x87C0]  }
0x6e: {  	v24 =	vld [tilespmem:s17+$0x730]  }
0x6f: {  	v25 =	vld [tilespmem:s17+$0x8730]  }
0x70: {  	v54 =	vld [tilespmem:s17+$0x760]  }
0x71: {  	v26 =	vld [tilespmem:s17+$0x790]  }
0x72: {  	v27 =	vld [tilespmem:s17+$0x8790]  }
0x73: {  	v28 =	vld [tilespmem:s17+$0x6F0]  }
0x74: {  	v29 =	vld [tilespmem:s17+$0x86F0]  }
0x75: {  	v30 =	vld [tilespmem:s17+$0x720]  }
0x76: {  	v31 =	vld [tilespmem:s17+$0x8720]  }
0x77: {  	v55 =	vld [tilespmem:s17+$0x750]  }
0x78: {  	v56 =	vld [tilespmem:s17+$0x8750]  }
0x79: {  	v32 =	vld [tilespmem:s17+$0x780]  }
0x7a: {  	v33 =	vld [tilespmem:s17+$0x8780]  }
0x7b: {  	v34 =	vld [tilespmem:s17+$0x6E0]  }
0x7c: {  	v35 =	vld [tilespmem:s17+$0x86E0]  }
0x7d: {  	v36 =	vld [tilespmem:s17+$0x710]  }
0x7e: {  	v37 =	vld [tilespmem:s17+$0x8710]  }
0x7f: {  	v57 =	vld [tilespmem:s17+$0x740]  }
0x80: {  	v58 =	vld [tilespmem:s17+$0x8740]  }
0x81: {  	v38 =	vld [tilespmem:s17+$0x670]  }
0x82: {  	v39 =	vld [tilespmem:s17+$0x8670]  }
0x83: {  	v59 =	vld [tilespmem:s17+$0x6A0]  }
0x84: {  	v40 =	vld [tilespmem:s17+$0x6D0]  }
0x85: {  	v41 =	vld [tilespmem:s17+$0x86D0]  }
0x86: {  	v42 =	vld [tilespmem:s17+$0x700]  }
0x87: {  	v43 =	vld [tilespmem:s17+$0x8700]  }
0x88: {  	v44 =	vld [tilespmem:s17+$0x630]  }
0x89: {  	v45 =	vld [tilespmem:s17+$0x8630]  }
0x8a: {  	v46 =	vld [tilespmem:s17+$0x660]  }
0x8b: {  	v47 =	vld [tilespmem:s17+$0x8660]  }
0x8c: {  	v60 =	vld [tilespmem:s17+$0x690]  }
0x8d: {  	v61 =	vld [tilespmem:s17+$0x8690]  }
0x8e: {  	v48 =	vld [tilespmem:s17+$0x6C0]  }
0x8f: {  	v49 =	vld [tilespmem:s17+$0x86C0]  }
0x90: {  	v62 =	vld [tilespmem:s17+$0x680]  }
0x91: {  	v63 =	vld [tilespmem:s17+$0x8680]  }
0x92: {  	v4 =	vld [tilespmem:s17+$0x5E0]  }
0x93: {  	v5 =	vld [tilespmem:s17+$0x5D0]  }
0x94: {  	v6 =	vld [tilespmem:s17+$0x85D0]  }
0x95: {  	v3 =	vld [tilespmem:s17+$0x600]  }
0x96: {  	v0 =	vld [tilespmem:s17+$0x8600]  }
0x97: {  	v10 =	vld [tilespmem:s17+$0x560]  }
0x98: {  	v9 =	vld [tilespmem:s17+$0x8560]  }
0x99: {  	v7 =	vld [tilespmem:s17+$0x5C0]  }
0x9a: {  	v8 =	vld [tilespmem:s17+$0x85C0]  }
0x9b: {  	v16 =	vld [tilespmem:s17+$0x4F0]  }
0x9c: {  	v15 =	vld [tilespmem:s17+$0x84F0]  }
0x9d: {  	v11 =	vld [tilespmem:s17+$0x520]  }
0x9e: {  	v2 =	vld [tilespmem:s17+$0x580]  }
0x9f: {  	v1 =	vld [tilespmem:s17+$0x8580]  }
0xa0: {  	v14 =	vld [tilespmem:s17+$0x4B0]  }
0xa1: {  	v13 =	vld [tilespmem:s17+$0x84B0]  }
0xa2: {  	v12 =	vld [tilespmem:s17+$0x4E0]  }
0xa3: {  	v19 =	vld [tilespmem:s17+$0x510]  }
0xa4: {  	v18 =	vld [tilespmem:s17+$0x8510]  }
0xa5: {  	v17 =	vld [tilespmem:s17+$0x430]  }
0xa6: {  	[tilespmem:$0x1FEB0] =	vst v50;
	v50 =	vld [tilespmem:s17+$0x620]  }
0xa7: {  	[tilespmem:$0x1FEC0] =	vst v51;
	v51 =	vld [tilespmem:s17+$0x8620]  }
0xa8: {  	[tilespmem:$0x1FE90] =	vst v52;
	v52 =	vld [tilespmem:s17+$0x650]  }
0xa9: {  	[tilespmem:$0x1FEA0] =	vst v53;
	v53 =	vld [tilespmem:s17+$0x8650]  }
0xaa: {  	[tilespmem:$0x1FE80] =	vst v54;
	v54 =	vld [tilespmem:s17+$0x5B0]  }
0xab: {  	[tilespmem:$0x1FE60] =	vst v55;
	v55 =	vld [tilespmem:s17+$0x85B0]  }
0xac: {  	[tilespmem:$0x1FE70] =	vst v56;
	v56 =	vld [tilespmem:s17+$0x610]  }
0xad: {  	[tilespmem:$0x1FE30] =	vst v57;
	v57 =	vld [tilespmem:s17+$0x8610]  }
0xae: {  	[tilespmem:$0x1FE40] =	vst v58;
	v58 =	vld [tilespmem:s17+$0x640]  }
0xaf: {  	[tilespmem:$0x1FE50] =	vst v59;
	v59 =	vld [tilespmem:s17+$0x8640]  }
0xb0: {  	[tilespmem:$0x1FE10] =	vst v60;
	v60 =	vld [tilespmem:s17+$0x570]  }
0xb1: {  	[tilespmem:$0x1FE20] =	vst v61;
	v61 =	vld [tilespmem:s17+$0x8570]  }
0xb2: {  	[tilespmem:$0x1FDE0] =	vst v62;
	v62 =	vld [tilespmem:s17+$0x5A0]  }
0xb3: {  	[tilespmem:$0x1FDF0] =	vst v63;
	v63 =	vld [tilespmem:s17+$0x85A0]  }
0xb4: {  	[tilespmem:$0x1FDD0] =	vst v6;
	v6 =	vld [tilespmem:s17+$0x590]  }
0xb5: {  	[tilespmem:$0x1FDC0] =	vst v5;
	v5 =	vld [tilespmem:s17+$0x8590]  }
0xb6: {  	[tilespmem:$0x1FDA0] =	vst v8;
	v8 =	vld [tilespmem:s17+$0x550]  }
0xb7: {  	[tilespmem:$0x1FD90] =	vst v7;
	v7 =	vld [tilespmem:s17+$0x8550]  }
0xb8: {  	[tilespmem:$0x1FDB0] =	vst v11;
	v11 =	vld [tilespmem:s17+$0x84E0]  }
0xb9: {  	[tilespmem:$0x1FE00] =	vst v4;
	v4 =	vld [tilespmem:s17+$0x540]  }
0xba: {  	v32 =	vmul.f32 v33, v32;
	v33 =	vld [tilespmem:s17+$0x8540]  }
0xbb: {  	v42 =	vmul.f32 v43, v42;
	v43 =	vld [tilespmem:s17+$0x4A0]  }
0xbc: {  	v22 =	vmul.f32 v23, v22;
	v23 =	vld [tilespmem:s17+$0x84A0]  }
0xbd: {  	v48 =	vmul.f32 v49, v48;
	v46 =	vmul.f32 v47, v46;
	v47 =	vld [tilespmem:s17+$0x8490]  }
0xbe: {  	v26 =	vmul.f32 v27, v26;
	v27 =	vadd.f32 $0.0e+00, v32;
	v32 =	vld [tilespmem:s17+$0x8430]  }
0xbf: {  	v49 =	vadd.f32 $0.0e+00, v48;
	v48 =	vld [tilespmem:s17+$0x480]  }
0xc0: {  	v26 =	vadd.f32 v26, v27;
	v27 =	vmul.f32 v37, v36;
	v37 =	vld [tilespmem:s17+$0x4D0]  }
0xc1: {  	v36 =	vadd.f32 $0.0e+00, v42;
	v11 =	vmul.f32 v11, v12;
	v12 =	vld [tilespmem:s17+$0x460]  }
0xc2: {  	v22 =	vadd.f32 v22, v26;
	v26 =	vld [tilespmem:s17+$0x84D0]  }
0xc3: {  	v20 =	vmul.f32 v21, v20;
	v21 =	vadd.f32 v27, v36;
	v27 =	vmul.f32 v31, v30;
	v30 =	vld [tilespmem:s17+$0x500]  }
0xc4: {  	v31 =	vmul.f32 v41, v40;
	v40 =	vld [tilespmem:s17+$0x8500]  }
0xc5: {  	v41 =	vmul.f32 v53, v52;
	v52 =	vmul.f32 v63, v62;
	v63 =	vld [tilespmem:s17+$0x470]  }
0xc6: {  	v62 =	vmul.f32 v15, v16;
	v15 =	vld [tilespmem:s17+$0x8520]  }
0xc7: {  	v21 =	vadd.f32 v27, v21;
	v27 =	vld [tilespmem:s17+$0x420]  }
0xc8: {  	v24 =	vmul.f32 v25, v24;
	v25 =	vadd.f32 v31, v49;
	v31 =	vmul.f32 v35, v34;
	v34 =	vld [tilespmem:s17+$0x8420]  }
0xc9: {  	v49 =	vld [tilespmem:s17+$0x8480]  }
0xca: {  	v20 =	vadd.f32 v20, v22;
	v22 =	vmul.f32 v59, v58;
	v58 =	vld [tilespmem:s17+$0x440]  }
0xcb: {  	v59 =	vld [tilespmem:s17+$0x8440]  }
0xcc: {  	v35 =	vld [tilespmem:s17+$0x8470]  }
0xcd: {  	v4 =	vmul.f32 v33, v4;
	v42 =	vadd.f32 $0.0e+00, v22;
	v22 =	vld [tilespmem:s17+$0x490]  }
0xce: {  	v21 =	vadd.f32 v24, v21;
	v24 =	vadd.f32 v31, v25;
	v25 =	vmul.f32 v29, v28;
	v28 =	vld [tilespmem:s17+$0x4C0]  }
0xcf: {  	v7 =	vmul.f32 v7, v8;
	v4 =	vadd.f32 $0.0e+00, v4;
	v31 =	vld [tilespmem:s17+$0x84C0]  }
0xd0: {  	v0 =	vmul.f32 v0, v3;
	v29 =	vmul.f32 v57, v56;
	v56 =	vld [tilespmem:s17+$0x8410]  }
0xd1: {  	v53 =	vmul.f32 v9, v10;
	v4 =	vadd.f32 v7, v4;
	v57 =	vmul.f32 v55, v54;
	v54 =	vld [tilespmem:$0x1FDD0]  }
0xd2: {  	v0 =	vadd.f32 $0.0e+00, v0;
	v55 =	vld [tilespmem:s17+$0x86A0]  }
0xd3: {  	v4 =	vadd.f32 v53, v4;
	v53 =	vld [tilespmem:$0x1FDC0]  }
0xd4: {  	v0 =	vadd.f32 v29, v0;
	v29 =	vmul.f32 v51, v50;
	v50 =	vld [tilespmem:s17+$0x410]  }
0xd5: {  	v51 =	vld [tilespmem:s17+$0x8400]  }
0xd6: {  	v24 =	vadd.f32 v25, v24;
	v25 =	vmul.f32 v39, v38;
	v38 =	vld [tilespmem:s17+$0x530]  }
0xd7: {  	v3 =	vadd.f32 v41, v42;
	v41 =	vld [tilespmem:s17+$0x8530]  }
0xd8: {  	v42 =	vmul.f32 v32, v17;
	v32 =	vld [tilespmem:$0x1FE10]  }
0xd9: {  	v17 =	vld [tilespmem:$0x1FEA0]  }
0xda: {  	v5 =	vmul.f32 v5, v6;
	v6 =	vmul.f32 v49, v48;
	v49 =	vld [tilespmem:$0x1FDB0]  }
0xdb: {  	v1 =	vmul.f32 v1, v2;
	v7 =	vmul.f32 v59, v58;
	v58 =	vld [tilespmem:$0x1FDE0];
	v3 =	vadd.f32 v46, v3  }
0xdc: {  	v59 =	vld [tilespmem:$0x1FDF0]  }
0xdd: {  	v1 =	vadd.f32 $0.0e+00, v1;
	v33 =	vmul.f32 v13, v14;
	v3 =	vadd.f32 v25, v3;
	v25 =	vld [tilespmem:s17+$0x400]  }
0xde: {  	v13 =	vmul.f32 v34, v27;
	v34 =	vld [tilespmem:$0x1FE40];
	v0 =	vadd.f32 v29, v0;
	v29 =	vmul.f32 v45, v44  }
0xdf: {  	v1 =	vadd.f32 v5, v1;
	v26 =	vmul.f32 v26, v37;
	v28 =	vmul.f32 v31, v28;
	v31 =	vld [tilespmem:s17+$0x450]  }
0xe0: {  	v6 =	vadd.f32 $0.0e+00, v6;
	v2 =	vmul.f32 v47, v22;
	v22 =	vld [tilespmem:s17+$0x8450];
	v0 =	vadd.f32 v29, v0  }
0xe1: {  	v29 =	vmul.f32 v61, v60;
	v61 =	vmul.f32 v23, v43;
	v23 =	vld [tilespmem:s17+$0x8460];
	v28 =	vadd.f32 $0.0e+00, v28  }
0xe2: {  	v1 =	vadd.f32 v52, v1;
	(xrf2) =	vadd.scan.msk.f32 $0xffff, v20;
	v45 =	vld [tilespmem:$0x1FD90];
	v8 =	vmul.f32 v51, v25  }
0xe3: {  	v37 =	vmul.f32 v40, v30;
	(xrf2) =	vadd.scan.msk.f32 $0xffff, v21;
	v46 =	vld [tilespmem:$0x1FDA0];
	v2 =	vadd.f32 v2, v6;
	v60 =	vadd.f32 v26, v28  }
0xe4: {  	(xrf2) =	vadd.scan.msk.f32 $0xffff, v24;
	v7 =	vadd.f32 $0.0e+00, v7;
	v47 =	vld [tilespmem:s17+$0x5F0];
	v9 =	vmul.f32 v56, v50;
	v8 =	vadd.f32 $0.0e+00, v8  }
0xe5: {  	v50 =	vld [tilespmem:s17+$0x85F0];
	(xrf2) =	vadd.scan.msk.f32 $0xffff, v3;
	v3 =	vmul.f32 v15, v49;
	v2 =	vadd.f32 v61, v2;
	v5 =	vadd.f32 v11, v60  }
0xe6: {  	v15 =	vld [tilespmem:$0x1FE70];
	v14 =	vmul.f32 v22, v31;
	v40 =	vmul.f32 v23, v12;
	v8 =	vadd.f32 v9, v8  }
0xe7: {  	v61 =	vld [tilespmem:$0x1FE00];
	v12 =	vmul.f32 v18, v19;
	v36 =	vadd.f32 v62, v5;
	v5 =	vadd.f32 $0.0e+00, v37  }
0xe8: {  	v1 =	vadd.f32 v57, v1;
	v39 =	vadd.f32 v13, v8;
	v13 =	vld [tilespmem:s17+$0x85E0]  }
0xe9: {  	v7 =	vadd.f32 v14, v7;
	v48 =	vadd.f32 v12, v5;
	v12 =	vld [tilespmem:$0x1FE20];
	v8 =	vmul.f32 v46, v45  }
0xea: {  	v44 =	vmul.f32 v35, v63;
	v4 =	vadd.f32 v29, v4;
	v2 =	vadd.f32 v33, v2;
	v33 =	vld [tilespmem:$0x1FE30]  }
0xeb: {  	(xrf2) =	vadd.scan.msk.f32 $0xffff, v0;
	v60 =	vld [tilespmem:s17+$0x6B0];
	v43 =	vadd.f32 v40, v7;
	v7 =	vmul.f32 v54, v53;
	v52 =	vadd.f32 $0.0e+00, v8  }
0xec: {  	(xrf2) =	vadd.scan.msk.f32 $0xffff, v1;
	v40 =	vld [tilespmem:$0x1FE60];
	v56 =	vadd.f32 v3, v48;
	v3 =	vmul.f32 v59, v58  }
0xed: {  	(xrf2) =	vadd.scan.msk.f32 $0xffff, v4;
	v51 =	vadd.f32 v44, v43;
	v44 =	vld [tilespmem:$0x1FE80];
	v4 =	vadd.f32 v7, v52;
	v7 =	vmul.f32 v13, v61  }
0xee: {  	v63 =	vadd.f32 $0.0e+00, v3;
	v3 =	vmul.f32 v12, v32;
	v12 =	vld [tilespmem:s17+$0x8760]  }
0xef: {  	v18 =	vld [tilespmem:$0x1FEC0];
	(xrf2) =	vadd.scan.msk.f32 $0xffff, v36;
	v0 =	vadd.f32 v42, v39;
	v4 =	vadd.f32 v7, v4;
	v7 =	vmul.f32 v34, v33  }
0xf0: {  	v57 =	vmul.f32 v41, v38;
	v36 =	vld [tilespmem:$0x1FE50];
	(xrf2) =	vadd.scan.msk.f32 $0xffff, v2  }
0xf1: {  	v62 =	vld [tilespmem:s17+$0x86B0];
	v5 =	vmul.f32 v50, v47;
	(xrf2) =	vadd.scan.msk.f32 $0xffff, v0;
	v39 =	vadd.f32 $0.0e+00, v7;
	v7 =	vmul.f32 v15, v40  }
0xf2: {  	v10, _, _ =	vpop (xrf2);
	v46 =	vld [tilespmem:$0x1FEB0];
	v0 =	vadd.f32 v57, v56;
	(xrf2) =	vadd.scan.msk.f32 $0xffff, v51  }
0xf3: {  	v2, _, _ =	vpop (xrf2);
	v4 =	vadd.f32 v5, v4;
	v5 =	vadd.f32 v7, v39;
	v7 =	vmul.f32 v12, v44;
	v12 =	vld [tilespmem:$0x1FE90]  }
0xf4: {  	v35 =	vld [tilespmem:s17+$0x770];
	v13, _, _ =	vpop (xrf2)  }
0xf5: {  	v37 =	vld [tilespmem:s17+$0x8770];
	v1 =	vadd.f32 v3, v63;
	v3 =	vmul.f32 v55, v36;
	v14, _, _ =	vpop (xrf2);
	(xrf2) =	vadd.scan.msk.f32 $0xffff, v0  }
0xf6: {  	v42 =	vld [tilespmem:s17+$0x87E0];
	v38, _, _ =	vpop (xrf2)  }
0xf7: {  	v41 =	vmul.f32 v62, v60;
	v1 =	vadd.f32 v3, v1;
	v16, _, _ =	vpop (xrf2);
	v15 =	vld [tilespmem:s17+$0x7E0]  }
0xf8: {  	v3 =	vmul.f32 v18, v46;
	v18 =	vld [tilespmem:s17+$0x87F0];
	v43, _, _ =	vpop (xrf2);
	(xrf2) =	vadd.scan.msk.f32 $0xffff, v4;
	v12 =	vmul.f32 v17, v12  }
0xf9: {  	v1 =	vadd.f32 v41, v1;
	v45, _, _ =	vpop (xrf2);
	v17 =	vld [tilespmem:s17+$0x7F0]  }
0xfa: {  	v47 =	vmul.f32 v37, v35;
	v19, _, _ =	vpop (xrf2);
	v5 =	vadd.f32 v7, v5;
	v48 =	vadd.f32 $0.0e+00, v12  }
0xfb: {  	(xrf2) =	vadd.scan.msk.f32 $0xffff, v1;
	v49, _, _ =	vpop (xrf2)  }
0xfc: {  	v51 =	vmul.f32 v42, v15;
	v50 =	vadd.f32 v47, v5;
	v52, _, _ =	vpop (xrf2);
	v3 =	vadd.f32 v3, v48  }
0xfd: {  	v53 =	vbroadcast v49, $0xF;
	v6 =	vbroadcast v52, $0xF  }
0xfe: {  	v54 =	vbroadcast v19, $0xF;
	(xrf2) =	vadd.scan.msk.f32 $0xffff, v50;
	v55 =	vmul.f32 v18, v17;
	v3 =	vadd.f32 v51, v3  }
0xff: {  	v4 =	vbroadcast v45, $0xF;
	v57, _, _ =	vpop (xrf2);
	v56 =	vsel vm0, v53, v6  }
0x100: {  	v6 =	vbroadcast v57, $0xF;
	v1 =	vsel vm1, v56, v54;
	v3 =	vadd.f32 v55, v3  }
0x101: {  	v58 =	vbroadcast v43, $0xF;
	v1 =	vsel vm2, v1, v4  }
0x102: {  	v59 =	vbroadcast v16, $0xF;
	v1 =	vsel vm3, v1, v6;
	v60, _, _ =	vpop (xrf2);
	(xrf2) =	vadd.scan.msk.f32 $0xffff, v3  }
0x103: {  	v1 =	vsel vm4, v1, v58;
	v61 =	vbroadcast v60, $0xF  }
0x104: {  	v0 =	vbroadcast v38, $0xF;
	v1 =	vsel vm5, v1, v59  }
0x105: {  	v62 =	vbroadcast v14, $0xF;
	v63, _, _ =	vpop (xrf2);
	v1 =	vsel vm6, v1, v61  }
0x106: {  	v6 =	vbroadcast v63, $0xF;
	v0 =	vsel vm7, v1, v0  }
0x107: {  	v7 =	vbroadcast v13, $0xF;
	v0 =	vsel vm8, v0, v62  }
0x108: {  	v8 =	vbroadcast v2, $0xF;
	v0 =	vsel vm9, v0, v6;
	v9, _, _ =	vpop (xrf2)  }
0x109: {  	v0 =	vsel vm10, v0, v7;
	v2 =	vbroadcast v9, $0xF  }
0x10a: {  	v11 =	vbroadcast v10, $0xF;
	v0 =	vsel vm11, v0, v8  }
0x10b: {  	v0 =	vsel vm12, v0, v2  }
0x10c: {  	v0 =	vsel vm13, v0, v11;
	v32, _, _ =	vpop (xrf2)  }
0x10d: {  	v0 =	vsel vm14, v0, v32  }
0x10e: {  	s17 =	simm.s32 $0x400;
	[tilespmem:s14+$0x0] =	vst v0  }
0x10f: {  	v22 =	vld [tilespmem:s17+$0x7B0]  }
0x110: {  	v53 =	vld [tilespmem:s17+$0x87B0]  }
0x111: {  	v17 =	vld [tilespmem:s17+$0x7D0]  }
0x112: {  	v0 =	vld [tilespmem:s17+$0x87D0]  }
0x113: {  	v3 =	vld [tilespmem:s17+$0x7A0]  }
0x114: {  	v29 =	vld [tilespmem:s17+$0x87A0]  }
0x115: {  	v33 =	vld [tilespmem:s17+$0x7C0]  }
0x116: {  	v34 =	vld [tilespmem:s17+$0x87C0]  }
0x117: {  	v21 =	vld [tilespmem:s17+$0x730]  }
0x118: {  	v24 =	vld [tilespmem:s17+$0x8730]  }
0x119: {  	v35 =	vld [tilespmem:s17+$0x760]  }
0x11a: {  	v27 =	vld [tilespmem:s17+$0x790]  }
0x11b: {  	v8 =	vld [tilespmem:s17+$0x6F0]  }
0x11c: {  	v10 =	vld [tilespmem:s17+$0x86F0]  }
0x11d: {  	v52 =	vld [tilespmem:s17+$0x720]  }
0x11e: {  	v37 =	vld [tilespmem:s17+$0x8720]  }
0x11f: {  	v36 =	vld [tilespmem:s17+$0x750]  }
0x120: {  	v38 =	vld [tilespmem:s17+$0x8750]  }
0x121: {  	v23 =	vld [tilespmem:s17+$0x780]  }
0x122: {  	v39 =	vld [tilespmem:s17+$0x6E0]  }
0x123: {  	v61 =	vld [tilespmem:s17+$0x86E0]  }
0x124: {  	v43 =	vld [tilespmem:s17+$0x710]  }
0x125: {  	v44 =	vld [tilespmem:s17+$0x8710]  }
0x126: {  	v40 =	vld [tilespmem:s17+$0x740]  }
0x127: {  	v41 =	vld [tilespmem:s17+$0x8740]  }
0x128: {  	v6 =	vld [tilespmem:s17+$0x670]  }
0x129: {  	v7 =	vld [tilespmem:s17+$0x8670]  }
0x12a: {  	v42 =	vld [tilespmem:s17+$0x6A0]  }
0x12b: {  	v32 =	vld [tilespmem:s17+$0x6D0]  }
0x12c: {  	v48 =	vld [tilespmem:s17+$0x86D0]  }
0x12d: {  	v49 =	vld [tilespmem:s17+$0x700]  }
0x12e: {  	v50 =	vld [tilespmem:s17+$0x8700]  }
0x12f: {  	v9 =	vld [tilespmem:s17+$0x630]  }
0x130: {  	v11 =	vld [tilespmem:s17+$0x8630]  }
0x131: {  	v45 =	vld [tilespmem:s17+$0x660]  }
0x132: {  	v62 =	vld [tilespmem:s17+$0x8660]  }
0x133: {  	v46 =	vld [tilespmem:s17+$0x690]  }
0x134: {  	v47 =	vld [tilespmem:s17+$0x8690]  }
0x135: {  	v55 =	vld [tilespmem:s17+$0x6C0]  }
0x136: {  	v56 =	vld [tilespmem:s17+$0x86C0]  }
0x137: {  	v51 =	vld [tilespmem:s17+$0x620]  }
0x138: {  	v58 =	vld [tilespmem:s17+$0x8620]  }
0x139: {  	v59 =	vld [tilespmem:s17+$0x650]  }
0x13a: {  	v60 =	vld [tilespmem:s17+$0x8650]  }
0x13b: {  	v54 =	vld [tilespmem:s17+$0x680]  }
0x13c: {  	v57 =	vld [tilespmem:s17+$0x8680]  }
0x13d: {  	v12 =	vld [tilespmem:s17+$0x5B0]  }
0x13e: {  	v13 =	vld [tilespmem:s17+$0x85B0]  }
0x13f: {  	v63 =	vld [tilespmem:s17+$0x5E0]  }
0x140: {  	v4 =	vld [tilespmem:s17+$0x570]  }
0x141: {  	v5 =	vld [tilespmem:s17+$0x8570]  }
0x142: {  	v2 =	vld [tilespmem:s17+$0x85A0]  }
0x143: {  	v15 =	vld [tilespmem:s17+$0x5D0]  }
0x144: {  	v16 =	vld [tilespmem:s17+$0x85D0]  }
0x145: {  	v1 =	vld [tilespmem:s17+$0x600]  }
0x146: {  	v14 =	vld [tilespmem:s17+$0x560]  }
0x147: {  	v18 =	vld [tilespmem:s17+$0x5C0]  }
0x148: {  	v19 =	vld [tilespmem:s17+$0x85C0]  }
0x149: {  	v26 =	vld [tilespmem:s17+$0x84F0]  }
0x14a: {  	v20 =	vld [tilespmem:s17+$0x520]  }
0x14b: {  	v25 =	vld [tilespmem:s17+$0x4B0]  }
0x14c: {  	v28 =	vld [tilespmem:s17+$0x84B0]  }
0x14d: {  	v30 =	vld [tilespmem:s17+$0x4E0]  }
0x14e: {  	v31 =	vld [tilespmem:s17+$0x84E0]  }
0x14f: {  	[tilespmem:$0x1FEF0] =	vst v34;
	v34 =	vld [tilespmem:s17+$0x8790]  }
0x150: {  	[tilespmem:$0x1FF00] =	vst v35;
	v35 =	vld [tilespmem:s17+$0x8780]  }
0x151: {  	[tilespmem:$0x1FFA0] =	vst v63;
	v63 =	vld [tilespmem:s17+$0x610]  }
0x152: {  	[tilespmem:$0x1FF60] =	vst v46;
	v46 =	vld [tilespmem:s17+$0x8610]  }
0x153: {  	[tilespmem:$0x1FF10] =	vst v36;
	v36 =	vld [tilespmem:s17+$0x640]  }
0x154: {  	[tilespmem:$0x1FEE0] =	vst v33;
	v33 =	vld [tilespmem:s17+$0x8640]  }
0x155: {  	[tilespmem:$0x1FF90] =	vst v57;
	v57 =	vld [tilespmem:s17+$0x5A0]  }
0x156: {  	[tilespmem:$0x1FED0] =	vst v0;
	v0 =	vld [tilespmem:s17+$0x8600]  }
0x157: {  	[tilespmem:$0x1FFE0] =	vst v14;
	v14 =	vld [tilespmem:s17+$0x8560]  }
0x158: {  	[tilespmem:$0x1FFC0] =	vst v45;
	v45 =	vld [tilespmem:s17+$0x590]  }
0x159: {  	[tilespmem:$0x1FF50] =	vst v42;
	v42 =	vld [tilespmem:s17+$0x8590]  }
0x15a: {  	[tilespmem:$0x1FF80] =	vst v54;
	v54 =	vld [tilespmem:s17+$0x4F0]  }
0x15b: {  	[tilespmem:$0x1FFD0] =	vst v51;
	v51 =	vld [tilespmem:s17+$0x550]  }
0x15c: {  	[tilespmem:$0x1FF70] =	vst v47;
	v47 =	vld [tilespmem:s17+$0x8550]  }
0x15d: {  	[tilespmem:$0x1FF30] =	vst v40;
	v40 =	vld [tilespmem:s17+$0x580]  }
0x15e: {  	[tilespmem:$0x1FF20] =	vst v38;
	v38 =	vld [tilespmem:s17+$0x8580]  }
0x15f: {  	[tilespmem:$0x1FF40] =	vst v41;
	v41 =	vld [tilespmem:s17+$0x540]  }
0x160: {  	[tilespmem:$0x1FFB0] =	vst v39;
	v39 =	vld [tilespmem:s17+$0x8540];
	v49 =	vmul.f32 v50, v49  }
0x161: {  	v3 =	vmul.f32 v29, v3;
	v29 =	vld [tilespmem:s17+$0x8430];
	v43 =	vmul.f32 v44, v43  }
0x162: {  	v55 =	vmul.f32 v56, v55;
	v37 =	vmul.f32 v37, v52;
	v52 =	vld [tilespmem:s17+$0x84D0]  }
0x163: {  	v56 =	vmul.f32 v53, v22;
	v48 =	vmul.f32 v48, v32;
	v32 =	vld [tilespmem:s17+$0x500];
	v44 =	vadd.f32 $0.0e+00, v49  }
0x164: {  	v53 =	vmul.f32 v24, v21;
	v21 =	vld [tilespmem:$0x1FFB0];
	v49 =	vadd.f32 $0.0e+00, v55;
	v35 =	vmul.f32 v35, v23  }
0x165: {  	v43 =	vadd.f32 v43, v44;
	v44 =	vld [tilespmem:s17+$0x4D0]  }
0x166: {  	v48 =	vadd.f32 v48, v49;
	v49 =	vld [tilespmem:$0x1FFC0];
	v34 =	vmul.f32 v34, v27;
	v35 =	vadd.f32 $0.0e+00, v35  }
0x167: {  	[tilespmem:$0x1FFF0] =	vst v14;
	v14 =	vld [tilespmem:s17+$0x510]  }
0x168: {  	v23 =	vld [tilespmem:s17+$0x8510];
	v35 =	vadd.f32 v34, v35  }
0x169: {  	v27 =	vld [tilespmem:s17+$0x430]  }
0x16a: {  	v60 =	vmul.f32 v60, v59;
	v55 =	vmul.f32 v33, v36;
	v33 =	vld [tilespmem:s17+$0x8500];
	v50 =	vadd.f32 v3, v35  }
0x16b: {  	v8 =	vmul.f32 v10, v8;
	v36 =	vld [tilespmem:s17+$0x420];
	v10 =	vmul.f32 v46, v63  }
0x16c: {  	v46 =	vld [tilespmem:s17+$0x490];
	v50 =	vadd.f32 v56, v50;
	v56 =	vmul.f32 v61, v21;
	v61 =	vadd.f32 $0.0e+00, v55  }
0x16d: {  	v63 =	vld [tilespmem:s17+$0x84C0]  }
0x16e: {  	v0 =	vmul.f32 v0, v1;
	v37 =	vadd.f32 v37, v43;
	v1 =	vadd.f32 v60, v61;
	v61 =	vld [tilespmem:$0x1FFD0]  }
0x16f: {  	v55 =	vld [tilespmem:s17+$0x4C0]  }
0x170: {  	v42 =	vmul.f32 v42, v45;
	v45 =	vld [tilespmem:s17+$0x480];
	v41 =	vmul.f32 v39, v41;
	v43 =	vadd.f32 v53, v37  }
0x171: {  	v39 =	vld [tilespmem:s17+$0x8490];
	v0 =	vadd.f32 $0.0e+00, v0;
	(xrf2) =	vadd.scan.msk.f32 $0xffff, v50  }
0x172: {  	v38 =	vmul.f32 v38, v40;
	v2 =	vmul.f32 v2, v57;
	v57 =	vadd.f32 $0.0e+00, v41;
	v41 =	vld [tilespmem:s17+$0x8400];
	(xrf2) =	vadd.scan.msk.f32 $0xffff, v43  }
0x173: {  	v37 =	vld [tilespmem:s17+$0x8420];
	v53 =	vmul.f32 v62, v49;
	v0 =	vadd.f32 v10, v0;
	v62 =	vmul.f32 v58, v61  }
0x174: {  	v38 =	vadd.f32 $0.0e+00, v38;
	v61 =	vmul.f32 v63, v55;
	v63 =	vld [tilespmem:$0x1FFF0]  }
0x175: {  	v48 =	vadd.f32 v56, v48;
	v0 =	vadd.f32 v62, v0;
	v62 =	vld [tilespmem:$0x1FFE0]  }
0x176: {  	v47 =	vmul.f32 v47, v51;
	v10 =	vld [tilespmem:s17+$0x8480];
	v42 =	vadd.f32 v42, v38  }
0x177: {  	v34 =	vld [tilespmem:s17+$0x4A0];
	v48 =	vadd.f32 v8, v48;
	v1 =	vadd.f32 v53, v1;
	v8 =	vmul.f32 v7, v6  }
0x178: {  	v38 =	vld [tilespmem:s17+$0x410];
	v49 =	vadd.f32 v47, v57;
	v56 =	vmul.f32 v11, v9  }
0x179: {  	v47 =	vld [tilespmem:s17+$0x400];
	v59 =	vadd.f32 v2, v42;
	v60 =	vmul.f32 v13, v12;
	v1 =	vadd.f32 v8, v1  }
0x17a: {  	v35 =	vld [tilespmem:s17+$0x84A0];
	(xrf2) =	vadd.scan.msk.f32 $0xffff, v48;
	v58 =	vadd.f32 v56, v0;
	v3 =	vmul.f32 v63, v62  }
0x17b: {  	v50 =	vmul.f32 v10, v45;
	v45 =	vld [tilespmem:s17+$0x440];
	v40 =	vadd.f32 v60, v59;
	v48 =	vmul.f32 v52, v44;
	(xrf2) =	vadd.scan.msk.f32 $0xffff, v1;
	v52, _, _ =	vpop (xrf2)  }
0x17c: {  	s19 =	simm.s32 $0x2000;
	s18 =	simm.s32 $0x10400;
	v42 =	vmul.f32 v5, v4;
	v44 =	vld [tilespmem:s17+$0x8410];
	v51 =	vadd.f32 $0.0e+00, v61;
	(xrf2) =	vadd.scan.msk.f32 $0xffff, v58;
	v21, _, _ =	vpop (xrf2);
	v49 =	vadd.f32 v3, v49  }
.LBB2_2:
0x17d: {  	v43 =	vld [tilespmem:s17+$0x8440]  }
0x17e: {  	v55 =	vld [tilespmem:s17+$0x450]  }
0x17f: {  	v56 =	vld [tilespmem:s17+$0x8450]  }
0x180: {  	v58 =	vld [tilespmem:s17+$0x8460]  }
0x181: {  	v60 =	vld [tilespmem:s17+$0x470]  }
0x182: {  	v62 =	vld [tilespmem:s17+$0x8470]  }
0x183: {  	v4 =	vld [tilespmem:s17+$0x8520]  }
0x184: {  	v6 =	vld [tilespmem:s17+$0x530]  }
0x185: {  	v7 =	vld [tilespmem:s17+$0x8530]  }
0x186: {  	v15 =	vmul.f32 v16, v15;
	v16 =	vld [tilespmem:s17+$0x86A0]  }
0x187: {  	v9 =	vld [tilespmem:$0x1FF80]  }
0x188: {  	v10 =	vld [tilespmem:$0x1FF90]  }
0x189: {  	v13 =	vld [tilespmem:s17+$0x6B0]  }
0x18a: {  	v11 =	vld [tilespmem:$0x1FFA0];
	v31 =	vmul.f32 v31, v30  }
0x18b: {  	v48 =	vadd.f32 v48, v51;
	(xrf2) =	vadd.scan.msk.f32 $0xffff, v40;
	v40 =	vld [tilespmem:$0x1FF20];
	v39 =	vmul.f32 v39, v46;
	v41 =	vmul.f32 v41, v47  }
0x18c: {  	v50 =	vadd.f32 $0.0e+00, v50;
	v0 =	vmul.f32 v26, v54;
	v26 =	vld [tilespmem:s17+$0x460];
	v34 =	vmul.f32 v35, v34  }
0x18d: {  	v42 =	vadd.f32 v42, v49;
	v1 =	vmul.f32 v44, v38;
	v22 =	vmul.f32 v23, v14;
	v23 =	vld [tilespmem:s17+$0x85E0]  }
0x18e: {  	v27 =	vmul.f32 v29, v27;
	v18 =	vmul.f32 v19, v18;
	v19 =	vld [tilespmem:s17+$0x5F0];
	v31 =	vadd.f32 v31, v48  }
0x18f: {  	v29 =	vmul.f32 v33, v32;
	v32 =	vld [tilespmem:$0x1FF60];
	v39 =	vadd.f32 v39, v50;
	v57 =	vadd.f32 $0.0e+00, v41  }
0x190: {  	v25 =	vmul.f32 v28, v25;
	v33 =	vld [tilespmem:$0x1FF70];
	v30, _, _ =	vpop (xrf2);
	(xrf2) =	vadd.scan.msk.f32 $0xffff, v42;
	v59 =	vmul.f32 v43, v45;
	v31 =	vadd.f32 v0, v31  }
0x191: {  	v61 =	vmul.f32 v37, v36;
	v35 =	vld [tilespmem:$0x1FF30];
	v34 =	vadd.f32 v34, v39;
	v28 =	vadd.f32 v1, v57  }
0x192: {  	v36 =	vld [tilespmem:$0x1FF40];
	v63 =	vmul.f32 v56, v55;
	v24, _, _ =	vpop (xrf2);
	(xrf2) =	vadd.scan.msk.f32 $0xffff, v31;
	v31 =	vadd.f32 $0.0e+00, v59  }
0x193: {  	v37 =	vld [tilespmem:$0x1FF50];
	v25 =	vadd.f32 v25, v34;
	v5 =	vadd.f32 v61, v28  }
0x194: {  	v44 =	vld [tilespmem:$0x1FEF0];
	v26 =	vmul.f32 v58, v26;
	v31 =	vadd.f32 v63, v31  }
0x195: {  	v47 =	vld [tilespmem:$0x1FED0];
	v38, _, _ =	vpop (xrf2);
	(xrf2) =	vadd.scan.msk.f32 $0xffff, v25;
	v25 =	vadd.f32 v27, v5;
	v27 =	vadd.f32 $0.0e+00, v29  }
0x196: {  	v42 =	vld [tilespmem:$0x1FF00];
	v29 =	vmul.f32 v62, v60;
	v8 =	vadd.f32 v26, v31  }
0x197: {  	v20 =	vmul.f32 v4, v20;
	v12 =	vmul.f32 v10, v9;
	v22 =	vadd.f32 v22, v27;
	v27 =	vld [tilespmem:s17+$0x85F0]  }
0x198: {  	v43 =	vld [tilespmem:$0x1FEE0];
	v18 =	vadd.f32 $0.0e+00, v18;
	v28, _, _ =	vpop (xrf2);
	(xrf2) =	vadd.scan.msk.f32 $0xffff, v25;
	v25 =	vadd.f32 v29, v8  }
0x199: {  	v2 =	vmul.f32 v7, v6;
	v12 =	vadd.f32 $0.0e+00, v12;
	v39 =	vld [tilespmem:$0x1FF10];
	v20 =	vadd.f32 v20, v22  }
0x19a: {  	v15 =	vadd.f32 v15, v18;
	v18 =	vld [tilespmem:s17+$0x86B0];
	v14 =	vmul.f32 v23, v11;
	v10 =	vmul.f32 v33, v32;
	v26, _, _ =	vpop (xrf2);
	(xrf2) =	vadd.scan.msk.f32 $0xffff, v25  }
0x19b: {  	v11 =	vld [tilespmem:s17+$0x8760];
	v7 =	vmul.f32 v36, v35;
	v20 =	vadd.f32 v2, v20  }
0x19c: {  	v14 =	vadd.f32 v14, v15;
	v10 =	vadd.f32 v10, v12;
	v12 =	vld [tilespmem:s17+$0x8770];
	v34 =	vmul.f32 v27, v19  }
0x19d: {  	v9 =	vmul.f32 v16, v37;
	v8 =	vld [tilespmem:s17+$0x770];
	v22, _, _ =	vpop (xrf2);
	(xrf2) =	vadd.scan.msk.f32 $0xffff, v20  }
0x19e: {  	v6 =	vld [tilespmem:s17+$0x7E0];
	v7 =	vadd.f32 $0.0e+00, v7;
	v5 =	vmul.f32 v40, v39;
	v14 =	vadd.f32 v34, v14  }
0x19f: {  	v16 =	vadd.f32 v9, v10;
	v41 =	vmul.f32 v18, v13;
	v13 =	vld [tilespmem:s17+$0x87E0]  }
0x1a0: {  	v3 =	vld [tilespmem:s17+$0x7F0];
	v45 =	vmul.f32 v44, v43;
	v4 =	vmul.f32 v11, v42;
	v5 =	vadd.f32 v5, v7;
	v15, _, _ =	vpop (xrf2);
	(xrf2) =	vadd.scan.msk.f32 $0xffff, v14  }
0x1a1: {  	v48 =	vld [tilespmem:s17+$0x87F0];
	v0 =	vmul.f32 v47, v17;
	v46 =	vadd.f32 v41, v16  }
0x1a2: {  	v4 =	vadd.f32 v4, v5;
	v2 =	vadd.f32 $0.0e+00, v45;
	v8 =	vmul.f32 v12, v8  }
0x1a3: {  	v49, _, _ =	vpop (xrf2);
	(xrf2) =	vadd.scan.msk.f32 $0xffff, v46  }
0x1a4: {  	v50 =	vmul.f32 v13, v6;
	v0 =	vadd.f32 v0, v2;
	v8 =	vadd.f32 v8, v4;
	v51, _, _ =	vpop (xrf2)  }
0x1a5: {  	v53 =	vbroadcast v49, $0xF;
	v5 =	vbroadcast v51, $0xF  }
0x1a6: {  	v1 =	vmul.f32 v48, v3;
	v0 =	vadd.f32 v50, v0;
	v54 =	vbroadcast v15, $0xF;
	(xrf2) =	vadd.scan.msk.f32 $0xffff, v8  }
0x1a7: {  	v56 =	vbroadcast v22, $0xF;
	v57, _, _ =	vpop (xrf2);
	v55 =	vsel vm0, v53, v5  }
0x1a8: {  	v0 =	vadd.f32 v1, v0;
	v58 =	vbroadcast v57, $0xF;
	v2 =	vsel vm1, v55, v54  }
0x1a9: {  	v60 =	vbroadcast v26, $0xF;
	v59 =	vsel vm2, v2, v56  }
0x1aa: {  	v61 =	vbroadcast v28, $0xF;
	v62, _, _ =	vpop (xrf2);
	(xrf2) =	vadd.scan.msk.f32 $0xffff, v0;
	v1 =	vsel vm3, v59, v58  }
0x1ab: {  	v6 =	vbroadcast v62, $0xF;
	v63 =	vsel vm4, v1, v60  }
0x1ac: {  	v7 =	vbroadcast v38, $0xF;
	v0 =	vsel vm5, v63, v61  }
0x1ad: {  	v8 =	vbroadcast v24, $0xF;
	v9, _, _ =	vpop (xrf2);
	v0 =	vsel vm6, v0, v6  }
0x1ae: {  	v10 =	vbroadcast v9, $0xF;
	v0 =	vsel vm7, v0, v7  }
0x1af: {  	v11 =	vbroadcast v30, $0xF;
	v0 =	vsel vm8, v0, v8  }
0x1b0: {  	v32 =	vbroadcast v21, $0xF;
	v33, _, _ =	vpop (xrf2);
	v0 =	vsel vm9, v0, v10  }
0x1b1: {  	v3 =	vbroadcast v33, $0xF;
	v0 =	vsel vm10, v0, v11  }
0x1b2: {  	v34 =	vbroadcast v52, $0xF;
	v0 =	vsel vm11, v0, v32  }
0x1b3: {  	v0 =	vsel vm12, v0, v3  }
0x1b4: {  	v35, _, _ =	vpop (xrf2);
	v0 =	vsel vm13, v0, v34  }
0x1b5: {  	s18 =	sadd.s32 $0x10, s18;
	v0 =	vsel vm14, v0, v35  }
0x1b6: {  	s17 =	sshra.s32 s19, $0x2;
	[tilespmem:s18+$0x0] =	vst v0  }
0x1b7: {  	v32 =	vld [tilespmem:s17+$0x7B0]  }
0x1b8: {  	v35 =	vld [tilespmem:s17+$0x87B0]  }
0x1b9: {  	v0 =	vld [tilespmem:s17+$0x7D0]  }
0x1ba: {  	v36 =	vld [tilespmem:s17+$0x87D0]  }
0x1bb: {  	v29 =	vld [tilespmem:s17+$0x7A0]  }
0x1bc: {  	v34 =	vld [tilespmem:s17+$0x87A0]  }
0x1bd: {  	v37 =	vld [tilespmem:s17+$0x7C0]  }
0x1be: {  	v38 =	vld [tilespmem:s17+$0x87C0]  }
0x1bf: {  	v33 =	vld [tilespmem:s17+$0x730]  }
0x1c0: {  	v39 =	vld [tilespmem:s17+$0x760]  }
0x1c1: {  	v27 =	vld [tilespmem:s17+$0x790]  }
0x1c2: {  	v52 =	vld [tilespmem:s17+$0x8790]  }
0x1c3: {  	v40 =	vld [tilespmem:s17+$0x6F0]  }
0x1c4: {  	v41 =	vld [tilespmem:s17+$0x86F0]  }
0x1c5: {  	v47 =	vld [tilespmem:s17+$0x720]  }
0x1c6: {  	v48 =	vld [tilespmem:s17+$0x8720]  }
0x1c7: {  	v42 =	vld [tilespmem:s17+$0x750]  }
0x1c8: {  	v43 =	vld [tilespmem:s17+$0x8750]  }
0x1c9: {  	v23 =	vld [tilespmem:s17+$0x780]  }
0x1ca: {  	v62 =	vld [tilespmem:s17+$0x8780]  }
0x1cb: {  	v46 =	vld [tilespmem:s17+$0x86E0]  }
0x1cc: {  	v57 =	vld [tilespmem:s17+$0x710]  }
0x1cd: {  	v60 =	vld [tilespmem:s17+$0x8710]  }
0x1ce: {  	v44 =	vld [tilespmem:s17+$0x740]  }
0x1cf: {  	v45 =	vld [tilespmem:s17+$0x8740]  }
0x1d0: {  	v49 =	vld [tilespmem:s17+$0x6A0]  }
0x1d1: {  	v58 =	vld [tilespmem:s17+$0x6D0]  }
0x1d2: {  	v61 =	vld [tilespmem:s17+$0x86D0]  }
0x1d3: {  	v63 =	vld [tilespmem:s17+$0x700]  }
0x1d4: {  	v50 =	vld [tilespmem:s17+$0x630]  }
0x1d5: {  	v51 =	vld [tilespmem:s17+$0x8630]  }
0x1d6: {  	v53 =	vld [tilespmem:s17+$0x690]  }
0x1d7: {  	v54 =	vld [tilespmem:s17+$0x8690]  }
0x1d8: {  	v1 =	vld [tilespmem:s17+$0x6C0]  }
0x1d9: {  	v2 =	vld [tilespmem:s17+$0x86C0]  }
0x1da: {  	v3 =	vld [tilespmem:s17+$0x650]  }
0x1db: {  	v4 =	vld [tilespmem:s17+$0x8650]  }
0x1dc: {  	v55 =	vld [tilespmem:s17+$0x680]  }
0x1dd: {  	v56 =	vld [tilespmem:s17+$0x8680]  }
0x1de: {  	v59 =	vld [tilespmem:s17+$0x5E0]  }
0x1df: {  	v5 =	vld [tilespmem:s17+$0x610]  }
0x1e0: {  	v6 =	vld [tilespmem:s17+$0x8610]  }
0x1e1: {  	v7 =	vld [tilespmem:s17+$0x640]  }
0x1e2: {  	v8 =	vld [tilespmem:s17+$0x8640]  }
0x1e3: {  	v21 =	vld [tilespmem:s17+$0x5D0]  }
0x1e4: {  	v9 =	vld [tilespmem:s17+$0x600]  }
0x1e5: {  	v10 =	vld [tilespmem:s17+$0x8600]  }
0x1e6: {  	v11 =	vld [tilespmem:s17+$0x590]  }
0x1e7: {  	v12 =	vld [tilespmem:s17+$0x8590]  }
0x1e8: {  	v22 =	vld [tilespmem:s17+$0x5C0]  }
0x1e9: {  	v19 =	vld [tilespmem:s17+$0x85C0]  }
0x1ea: {  	v26 =	vld [tilespmem:s17+$0x84F0]  }
0x1eb: {  	v20 =	vld [tilespmem:s17+$0x520]  }
0x1ec: {  	v13 =	vld [tilespmem:s17+$0x550]  }
0x1ed: {  	v24 =	vld [tilespmem:s17+$0x8550]  }
0x1ee: {  	v15 =	vld [tilespmem:s17+$0x580]  }
0x1ef: {  	v16 =	vld [tilespmem:s17+$0x8580]  }
0x1f0: {  	v25 =	vld [tilespmem:s17+$0x4B0]  }
0x1f1: {  	v28 =	vld [tilespmem:s17+$0x84B0]  }
0x1f2: {  	v30 =	vld [tilespmem:s17+$0x4E0]  }
0x1f3: {  	v31 =	vld [tilespmem:s17+$0x84E0]  }
0x1f4: {  	v14 =	vld [tilespmem:s17+$0x510]  }
0x1f5: {  	v18 =	vld [tilespmem:s17+$0x540]  }
0x1f6: {  	v17 =	vld [tilespmem:s17+$0x8540]  }
0x1f7: {  	[tilespmem:$0x1FED0] =	vst v36;
	v36 =	vld [tilespmem:s17+$0x8730]  }
0x1f8: {  	[tilespmem:$0x1FEE0] =	vst v37;
	v37 =	vld [tilespmem:s17+$0x6E0]  }
0x1f9: {  	[tilespmem:$0x1FF00] =	vst v39;
	v39 =	vld [tilespmem:s17+$0x670]  }
0x1fa: {  	[tilespmem:$0x1FD50] =	vst v41;
	v41 =	vld [tilespmem:s17+$0x8670]  }
0x1fb: {  	[tilespmem:$0x1FD60] =	vst v0;
	v0 =	vld [tilespmem:s17+$0x8700]  }
0x1fc: {  	[tilespmem:$0x1FD80] =	vst v51;
	v51 =	vld [tilespmem:s17+$0x660]  }
0x1fd: {  	[tilespmem:$0x1FEF0] =	vst v38;
	v38 =	vld [tilespmem:s17+$0x8660]  }
0x1fe: {  	[tilespmem:$0x1FF50] =	vst v49;
	v49 =	vld [tilespmem:s17+$0x620]  }
0x1ff: {  	[tilespmem:$0x1FD70] =	vst v50;
	v50 =	vld [tilespmem:s17+$0x8620]  }
0x200: {  	[tilespmem:$0x1FF30] =	vst v44;
	v44 =	vld [tilespmem:s17+$0x5B0]  }
0x201: {  	[tilespmem:$0x1FF40] =	vst v45;
	v45 =	vld [tilespmem:s17+$0x85B0]  }
0x202: {  	[tilespmem:$0x1FF10] =	vst v42;
	v42 =	vld [tilespmem:s17+$0x570]  }
0x203: {  	[tilespmem:$0x1FF20] =	vst v43;
	v43 =	vld [tilespmem:s17+$0x8570]  }
0x204: {  	[tilespmem:$0x1FF90] =	vst v56;
	v56 =	vld [tilespmem:s17+$0x5A0]  }
0x205: {  	[tilespmem:$0x1FFA0] =	vst v59;
	v59 =	vld [tilespmem:s17+$0x85A0]  }
0x206: {  	[tilespmem:$0x1FF60] =	vst v53;
	v53 =	vld [tilespmem:s17+$0x85D0]  }
0x207: {  	[tilespmem:$0x1FD40] =	vst v40;
	v40 =	vld [tilespmem:s17+$0x560]  }
0x208: {  	[tilespmem:$0x1FF80] =	vst v55;
	v55 =	vld [tilespmem:s17+$0x8560]  }
0x209: {  	[tilespmem:$0x1FF70] =	vst v54;
	v54 =	vld [tilespmem:s17+$0x4F0]  }
0x20a: {  	v62 =	vmul.f32 v62, v23;
	v23 =	vld [tilespmem:s17+$0x8510]  }
0x20b: {  	v52 =	vmul.f32 v52, v27;
	v27 =	vld [tilespmem:s17+$0x430];
	v57 =	vmul.f32 v60, v57  }
0x20c: {  	v1 =	vmul.f32 v2, v1;
	v32 =	vmul.f32 v35, v32;
	v35 =	vld [tilespmem:s17+$0x84A0];
	v62 =	vadd.f32 $0.0e+00, v62  }
0x20d: {  	v47 =	vmul.f32 v48, v47;
	v48 =	vld [tilespmem:s17+$0x4D0];
	v60 =	vmul.f32 v61, v58  }
0x20e: {  	v1 =	vadd.f32 $0.0e+00, v1;
	v52 =	vadd.f32 v52, v62;
	v62 =	vmul.f32 v34, v29;
	v29 =	vld [tilespmem:s17+$0x8430]  }
0x20f: {  	v34 =	vld [tilespmem:s17+$0x4A0]  }
0x210: {  	v1 =	vadd.f32 v60, v1;
	v60 =	vmul.f32 v6, v5;
	v5 =	vld [tilespmem:s17+$0x4C0];
	v0 =	vmul.f32 v0, v63  }
0x211: {  	v61 =	vmul.f32 v36, v33;
	v33 =	vld [tilespmem:s17+$0x8500]  }
0x212: {  	v36 =	vld [tilespmem:s17+$0x420];
	v0 =	vadd.f32 $0.0e+00, v0  }
0x213: {  	v7 =	vmul.f32 v8, v7;
	v37 =	vmul.f32 v46, v37;
	v46 =	vld [tilespmem:$0x1FD40];
	v63 =	vadd.f32 v62, v52  }
0x214: {  	v52 =	vmul.f32 v38, v51;
	v51 =	vmul.f32 v17, v18;
	v17 =	vld [tilespmem:$0x1FD60];
	v0 =	vadd.f32 v57, v0  }
0x215: {  	v3 =	vmul.f32 v4, v3;
	v62 =	vadd.f32 $0.0e+00, v7;
	v38 =	vld [tilespmem:s17+$0x410];
	v2 =	vadd.f32 v32, v63  }
0x216: {  	v1 =	vadd.f32 v37, v1;
	v37 =	vld [tilespmem:s17+$0x8420];
	v0 =	vadd.f32 v47, v0  }
0x217: {  	(xrf2) =	vadd.scan.msk.f32 $0xffff, v2;
	v2 =	vadd.f32 v3, v62;
	v47 =	vld [tilespmem:$0x1FD50]  }
0x218: {  	v32 =	vld [tilespmem:s17+$0x500];
	v0 =	vadd.f32 v61, v0  }
0x219: {  	v63 =	vmul.f32 v10, v9;
	v2 =	vadd.f32 v52, v2;
	v52 =	vld [tilespmem:$0x1FD70]  }
0x21a: {  	v61 =	vmul.f32 v16, v15;
	v16 =	vmov v53;
	v53 =	vld [tilespmem:$0x1FD80];
	(xrf2) =	vadd.scan.msk.f32 $0xffff, v0  }
0x21b: {  	v9 =	vld [tilespmem:s17+$0x8480];
	v58 =	vadd.f32 $0.0e+00, v63;
	v62 =	vmul.f32 v41, v39  }
0x21c: {  	v42 =	vmul.f32 v43, v42;
	v63 =	vld [tilespmem:s17+$0x84C0];
	v7 =	vmul.f32 v47, v46  }
0x21d: {  	v57 =	vld [tilespmem:s17+$0x84D0];
	v2 =	vadd.f32 v62, v2;
	v0 =	vadd.f32 v60, v58;
	v47 =	vmul.f32 v50, v49  }
0x21e: {  	v39 =	vld [tilespmem:s17+$0x8490];
	v49 =	vadd.f32 $0.0e+00, v61;
	v50 =	vmul.f32 v12, v11;
	v1 =	vadd.f32 v7, v1  }
0x21f: {  	p0 =	sne.s32 s19, $0x1F000;
	v3 =	vld [tilespmem:s17+$0x480];
	v58 =	vmul.f32 v59, v56;
	v0 =	vadd.f32 v47, v0;
	v4 =	vmul.f32 v53, v52  }
.Ltmp0:
0x220: {  	v41 =	vld [tilespmem:s17+$0x8400];
	v59 =	vadd.f32 $0.0e+00, v51;
	v60 =	vmul.f32 v24, v13;
	(xrf2) =	vadd.scan.msk.f32 $0xffff, v1;
	v1 =	vadd.f32 v50, v49;
	(pc) =	sbr.rel @p0 .LBB2_2-.Ltmp0, $4  }
0x221: {  	v18 =	vmovc v22;
	v62 =	vmul.f32 v45, v44;
	v44 =	vld [tilespmem:s17+$0x8410];
	v61 =	vmul.f32 v63, v5;
	v0 =	vadd.f32 v4, v0  }
0x222: {  	v45 =	vld [tilespmem:s17+$0x440];
	v63 =	vmul.f32 v55, v40;
	(xrf2) =	vadd.scan.msk.f32 $0xffff, v2;
	v2 =	vadd.f32 v60, v59;
	v1 =	vadd.f32 v58, v1  }
0x223: {  	v15 =	vmov v21;
	v48 =	vmul.f32 v57, v48;
	v46 =	vld [tilespmem:s17+$0x490];
	v51 =	vadd.f32 $0.0e+00, v61;
	v52, _, _ =	vpop (xrf2)  }
0x224: {  	s19 =	sadd.s32 $0x1000, s19;
	v47 =	vld [tilespmem:s17+$0x400];
	v50 =	vmul.f32 v9, v3;
	(xrf2) =	vadd.scan.msk.f32 $0xffff, v0;
	v49 =	vadd.f32 v63, v2;
	v40 =	vadd.f32 v62, v1;
	v21, _, _ =	vpop (xrf2)  }
0x225: {  	v0 =	vld [tilespmem:s17+$0x8440]  }
0x226: {  	v2 =	vld [tilespmem:s17+$0x450]  }
0x227: {  	v6 =	vld [tilespmem:s17+$0x8450]  }
0x228: {  	v9 =	vld [tilespmem:s17+$0x460]  }
0x229: {  	v11 =	vld [tilespmem:s17+$0x8460]  }
0x22a: {  	v12 =	vld [tilespmem:s17+$0x470]  }
0x22b: {  	v24 =	vmul.f32 v26, v54;
	v26 =	vld [tilespmem:s17+$0x8470]  }
0x22c: {  	v25 =	vmul.f32 v28, v25;
	v28 =	vld [tilespmem:s17+$0x8520]  }
0x22d: {  	v7 =	vmul.f32 v31, v30;
	v31 =	vld [tilespmem:s17+$0x530]  }
0x22e: {  	v30 =	vmul.f32 v33, v32;
	v33 =	vld [tilespmem:s17+$0x8530]  }
0x22f: {  	v13 =	vmul.f32 v37, v36;
	v36 =	vld [tilespmem:s17+$0x85E0]  }
0x230: {  	v4 =	vadd.f32 v48, v51;
	v48 =	vld [tilespmem:$0x1FF90]  }
0x231: {  	v51 =	vld [tilespmem:s17+$0x86B0]  }
0x232: {  	v55 =	vld [tilespmem:$0x1FF60]  }
0x233: {  	v56 =	vld [tilespmem:$0x1FF70]  }
0x234: {  	v57 =	vld [tilespmem:s17+$0x8760]  }
0x235: {  	v60 =	vld [tilespmem:$0x1FF30]  }
0x236: {  	v22 =	vmul.f32 v35, v34;
	v34 =	vmul.f32 v29, v27;
	v61 =	vld [tilespmem:$0x1FF40]  }
0x237: {  	v35 =	vmul.f32 v23, v14;
	v62 =	vld [tilespmem:s17+$0x770];
	v3 =	vadd.f32 $0.0e+00, v50;
	v5 =	vmul.f32 v41, v47  }
0x238: {  	v8 =	vadd.f32 v42, v49;
	v42 =	vld [tilespmem:s17+$0x85F0];
	v1 =	vmul.f32 v39, v46;
	v0 =	vmul.f32 v0, v45  }
0x239: {  	v10 =	vmul.f32 v44, v38;
	v49 =	vld [tilespmem:s17+$0x6B0];
	v4 =	vadd.f32 v7, v4;
	v5 =	vadd.f32 $0.0e+00, v5  }
0x23a: {  	v50 =	vld [tilespmem:$0x1FFA0];
	v1 =	vadd.f32 v1, v3;
	v2 =	vmul.f32 v6, v2;
	v0 =	vadd.f32 $0.0e+00, v0  }
0x23b: {  	v38 =	vmul.f32 v19, v18;
	v39 =	vld [tilespmem:s17+$0x5F0];
	v4 =	vadd.f32 v24, v4;
	v5 =	vadd.f32 v10, v5  }
0x23c: {  	v47 =	vld [tilespmem:$0x1FF80];
	v32 =	vmul.f32 v11, v9;
	v1 =	vadd.f32 v22, v1;
	v0 =	vadd.f32 v2, v0  }
0x23d: {  	(xrf2) =	vadd.scan.msk.f32 $0xffff, v40;
	v3 =	vadd.f32 $0.0e+00, v30;
	v37 =	vmul.f32 v26, v12;
	v45 =	vld [tilespmem:s17+$0x86A0];
	v5 =	vadd.f32 v13, v5  }
0x23e: {  	(xrf2) =	vadd.scan.msk.f32 $0xffff, v8;
	v41 =	vmul.f32 v28, v20;
	v20 =	vld [tilespmem:$0x1FF50];
	v1 =	vadd.f32 v25, v1;
	v0 =	vadd.f32 v32, v0  }
0x23f: {  	v44 =	vmul.f32 v16, v15;
	v26 =	vld [tilespmem:$0x1FF20];
	(xrf2) =	vadd.scan.msk.f32 $0xffff, v4;
	v3 =	vadd.f32 v35, v3;
	v40 =	vadd.f32 v34, v5  }
0x240: {  	v43 =	vadd.f32 $0.0e+00, v38;
	v46 =	vmul.f32 v33, v31;
	v33 =	vld [tilespmem:$0x1FEE0];
	(xrf2) =	vadd.scan.msk.f32 $0xffff, v1;
	v0 =	vadd.f32 v37, v0  }
0x241: {  	v3 =	vadd.f32 v41, v3;
	v25 =	vld [tilespmem:$0x1FF10];
	v5 =	vmul.f32 v48, v47;
	(xrf2) =	vadd.scan.msk.f32 $0xffff, v40  }
0x242: {  	v2 =	vmul.f32 v36, v50;
	v1 =	vadd.f32 v44, v43;
	v32 =	vld [tilespmem:$0x1FF00];
	(xrf2) =	vadd.scan.msk.f32 $0xffff, v0  }
0x243: {  	v4 =	vmul.f32 v56, v55;
	v53 =	vadd.f32 v46, v3;
	v34 =	vld [tilespmem:$0x1FEF0];
	v54 =	vadd.f32 $0.0e+00, v5  }
0x244: {  	v58, _, _ =	vpop (xrf2);
	v6 =	vmul.f32 v61, v60;
	v22 =	vld [tilespmem:s17+$0x8770];
	v59 =	vmul.f32 v42, v39;
	v1 =	vadd.f32 v2, v1  }
0x245: {  	v63, _, _ =	vpop (xrf2);
	v37 =	vld [tilespmem:$0x1FED0];
	v3 =	vadd.f32 v4, v54;
	v4 =	vmul.f32 v45, v20;
	(xrf2) =	vadd.scan.msk.f32 $0xffff, v53  }
0x246: {  	v27 =	vld [tilespmem:s17+$0x7E0];
	v24 =	vadd.f32 $0.0e+00, v6;
	v23, _, _ =	vpop (xrf2);
	v6 =	vmul.f32 v26, v25;
	v1 =	vadd.f32 v59, v1  }
0x247: {  	v30 =	vld [tilespmem:s17+$0x87E0];
	v29 =	vmul.f32 v51, v49;
	v28, _, _ =	vpop (xrf2);
	v3 =	vadd.f32 v4, v3  }
0x248: {  	v38 =	vld [tilespmem:s17+$0x87F0];
	v31, _, _ =	vpop (xrf2);
	v2 =	vadd.f32 v6, v24;
	v5 =	vmul.f32 v57, v32;
	v6 =	vmul.f32 v34, v33;
	(xrf2) =	vadd.scan.msk.f32 $0xffff, v1  }
0x249: {  	v35 =	vld [tilespmem:s17+$0x7F0];
	v40 =	vmul.f32 v22, v62;
	v36, _, _ =	vpop (xrf2);
	v3 =	vadd.f32 v29, v3  }
0x24a: {  	v4 =	vmul.f32 v37, v17;
	v2 =	vadd.f32 v5, v2;
	v6 =	vadd.f32 $0.0e+00, v6;
	v39, _, _ =	vpop (xrf2)  }
0x24b: {  	(xrf2) =	vadd.scan.msk.f32 $0xffff, v3;
	v41, _, _ =	vpop (xrf2)  }
0x24c: {  	v43 =	vmul.f32 v30, v27;
	v2 =	vadd.f32 v40, v2;
	v42 =	vadd.f32 v4, v6;
	v44, _, _ =	vpop (xrf2)  }
0x24d: {  	v45 =	vbroadcast v41, $0xF;
	v5 =	vbroadcast v44, $0xF  }
0x24e: {  	v47 =	vmul.f32 v38, v35;
	v46 =	vbroadcast v39, $0xF;
	v3 =	vadd.f32 v43, v42;
	(xrf2) =	vadd.scan.msk.f32 $0xffff, v2  }
0x24f: {  	v1 =	vbroadcast v36, $0xF;
	v49, _, _ =	vpop (xrf2);
	v48 =	vsel vm0, v45, v5  }
0x250: {  	v3 =	vadd.f32 v47, v3;
	v5 =	vbroadcast v49, $0xF;
	v2 =	vsel vm1, v48, v46  }
0x251: {  	v50 =	vbroadcast v31, $0xF;
	v1 =	vsel vm2, v2, v1  }
0x252: {  	v51 =	vbroadcast v28, $0xF;
	v53, _, _ =	vpop (xrf2);
	(xrf2) =	vadd.scan.msk.f32 $0xffff, v3;
	v1 =	vsel vm3, v1, v5  }
0x253: {  	v54 =	vbroadcast v53, $0xF;
	v1 =	vsel vm4, v1, v50  }
0x254: {  	v0 =	vbroadcast v23, $0xF;
	v1 =	vsel vm5, v1, v51  }
0x255: {  	v55 =	vbroadcast v63, $0xF;
	v56, _, _ =	vpop (xrf2);
	v1 =	vsel vm6, v1, v54  }
0x256: {  	v57 =	vbroadcast v56, $0xF;
	v0 =	vsel vm7, v1, v0  }
0x257: {  	v58 =	vbroadcast v58, $0xF;
	v0 =	vsel vm8, v0, v55  }
0x258: {  	v59 =	vbroadcast v21, $0xF;
	v60, _, _ =	vpop (xrf2);
	v0 =	vsel vm9, v0, v57  }
0x259: {  	v61 =	vbroadcast v60, $0xF;
	v0 =	vsel vm10, v0, v58  }
0x25a: {  	v62 =	vbroadcast v52, $0xF;
	v0 =	vsel vm11, v0, v59  }
0x25b: {  	v0 =	vsel vm12, v0, v61  }
0x25c: {  	s16 =	sadd.s32 $0x1, s16;
	v63, _, _ =	vpop (xrf2);
	v0 =	vsel vm13, v0, v62  }
0x25d: {  	s31 =	sadd.s32 $0x10, s18;
	p0 =	sne.s32 s16, s8;
	v0 =	vsel vm14, v0, v63  }
.Ltmp1:
0x25e: {  	[tilespmem:s31+$0x0] =	vst v0;
	(pc) =	sbr.rel @p0 .LBB2_1-.Ltmp1, $4  }
0x25f: {  	[hbm4b:s7+s1] =	stream.linear.scatter [tilespmem:s14], [sflag:$0x3], $0x200, $0x38;
	[tilespmem:$0x10600] =	vst v63  }
0x260: {  	_ =	swait.ge [sflag:s15], $0x200  }
0x261: {  	[sflag:s15] =	ssyncset.done $0x0  }
0x262: {  	[sflag:s15] =	ssyncadd.s32 $0xFFFFFE00  }
0x263: {  	_ =	sfence.sel $0x180000  }
0x264: {  	[bflag:$0x0] =	sbarrier.arrive $0xFFFF  }
0x265: {  	p0 =	sne.s32 s2, $0x0;
	_ =	strace $0x90000047  }
0x266: {  	s0 =	sadd.s32 @!p0 $0x100000, s0;
	[bflag:$0x2] =	sbarrier.arrive $0xFFFF  }
0x267: {  	[sflag:s0] =	ssyncadd.tile.s32 @!p0 $0x1;
	_ =	shalt  }
.Lfunc_end2:
_tile_overlayer_lowered:
.L_overlay_start_2:
0x268: {  	(tag) =	ssettag $0x2  }
0x269: {  	s0 =	rddreg [dreg:$0x0];
	s2 =	stileid.u32  }
0x26a: {  	s1 =	rddreg [dreg:$0x1];
	p0 =	sne.s32 s2, $0x0  }
0x26b: {  	s3 =	rddreg [dreg:$0x2];
	[bflag:$0x3] =	sbarrier.arrive $0xFFFF;
	s2 =	simm.s32 @!p0 $0x1C03  }
0x26c: {  	[timem:s3], [sflag:s2] =	dma.local @!p0 [hbm:s0], s1  }
0x26d: {  	s0 =	simm.s32 @!p0 $0x3  }
0x26e: {  	_ =	swait.ge @!p0 [sflag:s0], s1  }
0x26f: {  	s1 =	ssub.s32 @!p0 $0x0, s1;
	[sflag:s0] =	ssyncset.done @!p0 $0x0  }
0x270: {  	[sflag:s0] =	ssyncadd.s32 @!p0 s1  }
0x271: {  	[bflag:$0x3] =	sbarrier.arrive $0xFFFF  }
0x272: {  	_ =	shalt  }

</sc_bundles>
